<compile_context>
chip_gen: v7x
topology: tpu7x:2x2x1
jax: 0.10.2.dev20260603
libtpu: 0.0.44.dev20260713+nightly
codegen_flags: <defaults>
</compile_context>

<pallas_src>
import jax
import jax.numpy as jnp
from jax import lax
from jax.experimental import pallas as pl
from jax.experimental.pallas import tpu as pltpu
from jax.experimental.pallas import tpu_sc as plsc

_NC = 2
_NS = 16
_K = 125
_CPP = 40
_NPAD = 10240
_WCHUNKS = tuple((j * 80, 80) for j in range(8))


def _mm_body(x_ref, w_ref, b_ref, o_ref):
    o_ref[...] = lax.dot_general(
        x_ref[...], w_ref[...],
        dimension_numbers=(((1,), (1,)), ((), ())),
        preferred_element_type=jnp.float32) + b_ref[...]


def _linear(x, w, b):
    n, d_in = x.shape
    d_out = w.shape[0]
    blk = 1000
    return pl.pallas_call(
        _mm_body,
        grid=(n // blk,),
        in_specs=[
            pl.BlockSpec((blk, d_in), lambda i: (i, 0)),
            pl.BlockSpec((d_out, d_in), lambda i: (0, 0)),
            pl.BlockSpec((1, d_out), lambda i: (0, 0)),
        ],
        out_specs=pl.BlockSpec((blk, d_out), lambda i: (i, 0)),
        out_shape=jax.ShapeDtypeStruct((n, d_out), jnp.float32),
    )(x, w, b.reshape(1, d_out))


def _sc_body(h_hbm, ei_hbm, zero_hbm, p_hbm,
             acc, rowv, colv, gbuf0, gbuf1, sem0, sem1):
    c = lax.axis_index("c")
    s = lax.axis_index("s")
    wid = c * _NS + s
    n_rows = acc.shape[0]
    slab = n_rows // _NS
    chunks = rowv.shape[0]
    npass = ei_hbm.shape[2] // chunks

    zbuf = gbuf0.at[pl.ds(0, zero_hbm.shape[0])]
    pltpu.sync_copy(zero_hbm, zbuf)
    for r0, nr in _WCHUNKS:
        pltpu.sync_copy(gbuf0.at[pl.ds(0, nr)],
                        acc.at[pl.ds(s * slab + r0, nr)])
    plsc.subcore_barrier()

    for p in range(npass):
        pltpu.sync_copy(ei_hbm.at[0, wid, pl.ds(p * chunks, chunks)], rowv)
        pltpu.sync_copy(ei_hbm.at[1, wid, pl.ds(p * chunks, chunks)], colv)
        pltpu.async_copy(h_hbm.at[colv.at[0]], gbuf0, sem0)

        def pair(io, carry):
            i = io * 2
            pltpu.async_copy(h_hbm.at[colv.at[i + 1]], gbuf1, sem1)
            pltpu.make_async_copy(h_hbm.at[colv.at[i]], gbuf0, sem0).wait()
            pltpu.sync_copy(gbuf0, acc.at[rowv.at[i]], add=True)

            @pl.when(i + 2 < chunks)
            def _():
                pltpu.async_copy(h_hbm.at[colv.at[i + 2]], gbuf0, sem0)
            pltpu.make_async_copy(
                h_hbm.at[colv.at[i + 1]], gbuf1, sem1).wait()
            pltpu.sync_copy(gbuf1, acc.at[rowv.at[i + 1]], add=True)
            return carry
        lax.fori_loop(0, chunks // 2, pair, 0)
    plsc.subcore_barrier()

    for r0, nr in _WCHUNKS:
        pltpu.sync_copy(acc.at[pl.ds(s * slab + r0, nr)],
                        gbuf0.at[pl.ds(0, nr)])
        pltpu.sync_copy(gbuf0.at[pl.ds(0, nr)],
                        p_hbm.at[pl.ds(c * n_rows + s * slab + r0, nr)])


def _aggregate(h, edge_index):
    n, d = h.shape
    e = edge_index.shape[1]
    nw = _NC * _NS
    npass = -(-e // (_K * nw * _CPP))
    cpw = npass * _CPP
    pad = cpw * _K * nw - e
    if pad:
        trash = n + jnp.arange(pad, dtype=jnp.int32) % (_NPAD - n)
        pad_rc = jnp.stack([trash, jnp.zeros((pad,), jnp.int32)])
        edge_index = jnp.concatenate([edge_index, pad_rc], axis=1)
    ei = edge_index.reshape(2, nw, cpw, _K)
    zeros = jnp.zeros((80, d), jnp.float32)
    mesh = plsc.VectorSubcoreMesh(core_axis_name="c", subcore_axis_name="s",
                                  num_cores=_NC, num_subcores=_NS)
    f = pl.kernel(
        _sc_body,
        out_type=jax.ShapeDtypeStruct((_NC * _NPAD, d), jnp.float32),
        mesh=mesh,
        scratch_types=[
            pltpu.VMEM_SHARED((_NPAD, d), jnp.float32),
            pltpu.VMEM((_CPP, _K), jnp.int32),
            pltpu.VMEM((_CPP, _K), jnp.int32),
            pltpu.VMEM((_K, d), jnp.float32),
            pltpu.VMEM((_K, d), jnp.float32),
            pltpu.SemaphoreType.DMA,
            pltpu.SemaphoreType.DMA,
        ],
    )
    return f(h, ei, zeros)


def _add_body(a_ref, b_ref, o_ref):
    o_ref[...] = a_ref[...] + b_ref[...]


def _combine(p, n, d):
    blk = _NPAD // 8
    g = -(-n // blk)
    off = _NPAD // blk
    return pl.pallas_call(
        _add_body,
        grid=(g,),
        in_specs=[pl.BlockSpec((blk, d), lambda i: (i, 0)),
                  pl.BlockSpec((blk, d), lambda i: (i + off, 0))],
        out_specs=pl.BlockSpec((blk, d), lambda i: (i, 0)),
        out_shape=jax.ShapeDtypeStruct((n, d), jnp.float32),
    )(p, p)


def kernel(x, edge_index, W, b):
    h = _linear(x, W, b)
    p = _aggregate(h, edge_index)
    n, d = h.shape
    return _combine(p, n, d)

# --- scband reference (transcript-rebuilt; emitter-appended) ---
"""Pipeline reference for scband-q-gcnlayer-68247030333446 (READ-ONLY COPY).

The authoritative reference and input builder live on the scoring server;
editing this copy changes nothing except your own understanding.
"""

import jax, jax.numpy as jnp
import numpy as np

N = 10000
E = 320000
D_IN = 128
D_OUT = 128

def setup_inputs(seed: int = 0) -> dict:
    key = jax.random.key(seed)
    k1, k2, k3, k4 = jax.random.split(key, 4)
    x = jax.random.normal(k1, (N, D_IN), dtype=jnp.float32)
    # adj is a sparse [N, N] matrix with unit values; represented as COO indices [2, E]
    # row = edge_index[0] (destination of aggregation), col = edge_index[1]
    edge_index = jax.random.randint(k2, (2, E), 0, N, dtype=jnp.int32)
    # nn.Linear params: weight [out_dim, in_dim], bias [out_dim]
    bound = 1.0 / np.sqrt(D_IN)
    W = jax.random.uniform(k3, (D_OUT, D_IN), dtype=jnp.float32, minval=-bound, maxval=bound)
    b = jax.random.uniform(k4, (D_OUT,), dtype=jnp.float32, minval=-bound, maxval=bound)
    return {"x": x, "edge_index": edge_index, "W": W, "b": b}

def reference(x, edge_index, W, b):
    # x = self.linear(x)
    h = x @ W.T + b
    # x = torch.sparse.mm(adj, x): out[row] += values(=1) * h[col]
    row = edge_index[0]
    col = edge_index[1]
    msg = jnp.take(h, col, axis=0)
    out = jax.ops.segment_sum(msg, row, num_segments=N)
    return out

if __name__ == "__main__":
    import jax
    _d = setup_inputs()
    print(jax.jit(kernel)(*tuple(_d.values())))

</pallas_src>

<mosaic_0001>
#map = affine_map<(d0, d1) -> (0, 0)>
#map1 = affine_map<(d0, d1) -> (0, 0, 0, 0)>
module attributes {stable_mosaic.version = 14 : i64} {
  func.func @_sc_body(%arg0: i32, %arg1: i32, %arg2: memref<10000x128xf32, #tpu.memory_space<hbm>>, %arg3: memref<2x32x80x125xi32, #tpu.memory_space<hbm>>, %arg4: memref<80x128xf32, #tpu.memory_space<hbm>>, %arg5: memref<20480x128xf32, #tpu.memory_space<hbm>>, %arg6: memref<10240x128xf32, #tpu.memory_space<vmem_shared>>, %arg7: memref<40x125xi32, #tpu.memory_space<vmem>>, %arg8: memref<40x125xi32, #tpu.memory_space<vmem>>, %arg9: memref<125x128xf32, #tpu.memory_space<vmem>>, %arg10: memref<125x128xf32, #tpu.memory_space<vmem>>, %arg11: memref<!tpu.dma_semaphore, #tpu.memory_space<semaphore_mem>>, %arg12: memref<!tpu.dma_semaphore, #tpu.memory_space<semaphore_mem>>) attributes {dimension_semantics = [#tpu.dimension_semantics<core_parallel>, #tpu.dimension_semantics<subcore_parallel>], iteration_bounds = array<i64: 2, 16>, scalar_prefetch = 0 : i64, scratch_operands = 7 : i64, tpu.core_type = #tpu.core_type<sc_vector_subcore>, window_params = [{transform_indices = #map}, {transform_indices = #map1}, {transform_indices = #map}, {transform_indices = #map}]} {
    %mul3A = arith.constant 16 : i32
    %mul3A_0 = arith.muli %arg0, %mul3A : i32
    %add3A = arith.addi %mul3A_0, %arg1 : i32
    "tpu.region"() ({
      %run_scoped3A_149 = tpu.sem_alloc : memref<!tpu.dma_semaphore, #tpu.memory_space<semaphore_mem>>
      %dma_start3A_150 = arith.constant 0 : i32
      %dma_start3A_151 = arith.constant 0 : i32
      %dma_start3A_152 = tpu.memref_slice %arg9[%dma_start3A_150, %dma_start3A_151] : memref<125x128xf32, #tpu.memory_space<vmem>> -> memref<80x128xf32, #tpu.memory_space<vmem>>
      %dma_start3A_153 = arith.constant 0 : i32
      %dma_start3A_154 = arith.constant 0 : i32
      %dma_start3A_155 = tpu.memref_slice %arg9[%dma_start3A_153, %dma_start3A_154] : memref<125x128xf32, #tpu.memory_space<vmem>> -> memref<80x128xf32, #tpu.memory_space<vmem>>
      tpu.enqueue_dma source(%arg4 : memref<80x128xf32, #tpu.memory_space<hbm>>) target(%dma_start3A_155 : memref<80x128xf32, #tpu.memory_space<vmem>>) target_semaphore(%run_scoped3A_149 : memref<!tpu.dma_semaphore, #tpu.memory_space<semaphore_mem>>)
      %dma_wait3A = arith.constant 0 : i32
      %dma_wait3A_156 = arith.constant 0 : i32
      %dma_wait3A_157 = tpu.memref_slice %arg9[%dma_wait3A, %dma_wait3A_156] : memref<125x128xf32, #tpu.memory_space<vmem>> -> memref<80x128xf32, #tpu.memory_space<vmem>>
      %dma_wait3A_158 = arith.constant 0 : i32
      %dma_wait3A_159 = arith.constant 0 : i32
      %dma_wait3A_160 = tpu.memref_slice %arg9[%dma_wait3A_158, %dma_wait3A_159] : memref<125x128xf32, #tpu.memory_space<vmem>> -> memref<80x128xf32, #tpu.memory_space<vmem>>
      tpu.wait_dma2 semaphore(%run_scoped3A_149 : memref<!tpu.dma_semaphore, #tpu.memory_space<semaphore_mem>>) src(%arg4 : memref<80x128xf32, #tpu.memory_space<hbm>>) dst(%dma_wait3A_160 : memref<80x128xf32, #tpu.memory_space<vmem>>)
      tpu.yield
    }) : () -> ()
    %mul3A_1 = arith.constant 640 : i32
    %mul3A_2 = arith.muli %arg1, %mul3A_1 : i32
    %add3A_3 = arith.constant 0 : i32
    %add3A_4 = arith.addi %mul3A_2, %add3A_3 : i32
    "tpu.region"() ({
      %run_scoped3A_149 = tpu.sem_alloc : memref<!tpu.dma_semaphore, #tpu.memory_space<semaphore_mem>>
      %dma_start3A_150 = arith.constant 0 : i32
      %dma_start3A_151 = arith.constant 0 : i32
      %dma_start3A_152 = tpu.memref_slice %arg9[%dma_start3A_150, %dma_start3A_151] : memref<125x128xf32, #tpu.memory_space<vmem>> -> memref<80x128xf32, #tpu.memory_space<vmem>>
      %dma_start3A_153 = arith.constant 0 : i32
      %dma_start3A_154 = tpu.memref_slice %arg6[%add3A_4, %dma_start3A_153] : memref<10240x128xf32, #tpu.memory_space<vmem_shared>> -> memref<80x128xf32, #tpu.memory_space<vmem_shared>>
      %dma_start3A_155 = arith.constant 0 : i32
      %dma_start3A_156 = tpu.memref_slice %arg6[%add3A_4, %dma_start3A_155] : memref<10240x128xf32, #tpu.memory_space<vmem_shared>> -> memref<80x128xf32, #tpu.memory_space<vmem_shared>>
      %dma_start3A_157 = arith.constant 0 : i32
      %dma_start3A_158 = arith.constant 0 : i32
      %dma_start3A_159 = tpu.memref_slice %arg9[%dma_start3A_157, %dma_start3A_158] : memref<125x128xf32, #tpu.memory_space<vmem>> -> memref<80x128xf32, #tpu.memory_space<vmem>>
      tpu.enqueue_dma source(%dma_start3A_159 : memref<80x128xf32, #tpu.memory_space<vmem>>) target(%dma_start3A_156 : memref<80x128xf32, #tpu.memory_space<vmem_shared>>) target_semaphore(%run_scoped3A_149 : memref<!tpu.dma_semaphore, #tpu.memory_space<semaphore_mem>>)
      %dma_wait3A = arith.constant 0 : i32
      %dma_wait3A_160 = arith.constant 0 : i32
      %dma_wait3A_161 = tpu.memref_slice %arg9[%dma_wait3A, %dma_wait3A_160] : memref<125x128xf32, #tpu.memory_space<vmem>> -> memref<80x128xf32, #tpu.memory_space<vmem>>
      %dma_wait3A_162 = arith.constant 0 : i32
      %dma_wait3A_163 = tpu.memref_slice %arg6[%add3A_4, %dma_wait3A_162] : memref<10240x128xf32, #tpu.memory_space<vmem_shared>> -> memref<80x128xf32, #tpu.memory_space<vmem_shared>>
      %dma_wait3A_164 = arith.constant 0 : i32
      %dma_wait3A_165 = tpu.memref_slice %arg6[%add3A_4, %dma_wait3A_164] : memref<10240x128xf32, #tpu.memory_space<vmem_shared>> -> memref<80x128xf32, #tpu.memory_space<vmem_shared>>
      %dma_wait3A_166 = arith.constant 0 : i32
      %dma_wait3A_167 = arith.constant 0 : i32
      %dma_wait3A_168 = tpu.memref_slice %arg9[%dma_wait3A_166, %dma_wait3A_167] : memref<125x128xf32, #tpu.memory_space<vmem>> -> memref<80x128xf32, #tpu.memory_space<vmem>>
      tpu.wait_dma2 semaphore(%run_scoped3A_149 : memref<!tpu.dma_semaphore, #tpu.memory_space<semaphore_mem>>) src(%dma_wait3A_168 : memref<80x128xf32, #tpu.memory_space<vmem>>) dst(%dma_wait3A_165 : memref<80x128xf32, #tpu.memory_space<vmem_shared>>)
      tpu.yield
    }) : () -> ()
    %mul3A_5 = arith.constant 640 : i32
    %mul3A_6 = arith.muli %arg1, %mul3A_5 : i32
    %add3A_7 = arith.constant 80 : i32
    %add3A_8 = arith.addi %mul3A_6, %add3A_7 : i32
    "tpu.region"() ({
      %run_scoped3A_149 = tpu.sem_alloc : memref<!tpu.dma_semaphore, #tpu.memory_space<semaphore_mem>>
      %dma_start3A_150 = arith.constant 0 : i32
      %dma_start3A_151 = arith.constant 0 : i32
      %dma_start3A_152 = tpu.memref_slice %arg9[%dma_start3A_150, %dma_start3A_151] : memref<125x128xf32, #tpu.memory_space<vmem>> -> memref<80x128xf32, #tpu.memory_space<vmem>>
      %dma_start3A_153 = arith.constant 0 : i32
      %dma_start3A_154 = tpu.memref_slice %arg6[%add3A_8, %dma_start3A_153] : memref<10240x128xf32, #tpu.memory_space<vmem_shared>> -> memref<80x128xf32, #tpu.memory_space<vmem_shared>>
      %dma_start3A_155 = arith.constant 0 : i32
      %dma_start3A_156 = tpu.memref_slice %arg6[%add3A_8, %dma_start3A_155] : memref<10240x128xf32, #tpu.memory_space<vmem_shared>> -> memref<80x128xf32, #tpu.memory_space<vmem_shared>>
      %dma_start3A_157 = arith.constant 0 : i32
      %dma_start3A_158 = arith.constant 0 : i32
      %dma_start3A_159 = tpu.memref_slice %arg9[%dma_start3A_157, %dma_start3A_158] : memref<125x128xf32, #tpu.memory_space<vmem>> -> memref<80x128xf32, #tpu.memory_space<vmem>>
      tpu.enqueue_dma source(%dma_start3A_159 : memref<80x128xf32, #tpu.memory_space<vmem>>) target(%dma_start3A_156 : memref<80x128xf32, #tpu.memory_space<vmem_shared>>) target_semaphore(%run_scoped3A_149 : memref<!tpu.dma_semaphore, #tpu.memory_space<semaphore_mem>>)
      %dma_wait3A = arith.constant 0 : i32
      %dma_wait3A_160 = arith.constant 0 : i32
      %dma_wait3A_161 = tpu.memref_slice %arg9[%dma_wait3A, %dma_wait3A_160] : memref<125x128xf32, #tpu.memory_space<vmem>> -> memref<80x128xf32, #tpu.memory_space<vmem>>
      %dma_wait3A_162 = arith.constant 0 : i32
      %dma_wait3A_163 = tpu.memref_slice %arg6[%add3A_8, %dma_wait3A_162] : memref<10240x128xf32, #tpu.memory_space<vmem_shared>> -> memref<80x128xf32, #tpu.memory_space<vmem_shared>>
      %dma_wait3A_164 = arith.constant 0 : i32
      %dma_wait3A_165 = tpu.memref_slice %arg6[%add3A_8, %dma_wait3A_164] : memref<10240x128xf32, #tpu.memory_space<vmem_shared>> -> memref<80x128xf32, #tpu.memory_space<vmem_shared>>
      %dma_wait3A_166 = arith.constant 0 : i32
      %dma_wait3A_167 = arith.constant 0 : i32
      %dma_wait3A_168 = tpu.memref_slice %arg9[%dma_wait3A_166, %dma_wait3A_167] : memref<125x128xf32, #tpu.memory_space<vmem>> -> memref<80x128xf32, #tpu.memory_space<vmem>>
      tpu.wait_dma2 semaphore(%run_scoped3A_149 : memref<!tpu.dma_semaphore, #tpu.memory_space<semaphore_mem>>) src(%dma_wait3A_168 : memref<80x128xf32, #tpu.memory_space<vmem>>) dst(%dma_wait3A_165 : memref<80x128xf32, #tpu.memory_space<vmem_shared>>)
      tpu.yield
    }) : () -> ()
    %mul3A_9 = arith.constant 640 : i32
    %mul3A_10 = arith.muli %arg1, %mul3A_9 : i32
    %add3A_11 = arith.constant 160 : i32
    %add3A_12 = arith.addi %mul3A_10, %add3A_11 : i32
    "tpu.region"() ({
      %run_scoped3A_149 = tpu.sem_alloc : memref<!tpu.dma_semaphore, #tpu.memory_space<semaphore_mem>>
      %dma_start3A_150 = arith.constant 0 : i32
      %dma_start3A_151 = arith.constant 0 : i32
      %dma_start3A_152 = tpu.memref_slice %arg9[%dma_start3A_150, %dma_start3A_151] : memref<125x128xf32, #tpu.memory_space<vmem>> -> memref<80x128xf32, #tpu.memory_space<vmem>>
      %dma_start3A_153 = arith.constant 0 : i32
      %dma_start3A_154 = tpu.memref_slice %arg6[%add3A_12, %dma_start3A_153] : memref<10240x128xf32, #tpu.memory_space<vmem_shared>> -> memref<80x128xf32, #tpu.memory_space<vmem_shared>>
      %dma_start3A_155 = arith.constant 0 : i32
      %dma_start3A_156 = tpu.memref_slice %arg6[%add3A_12, %dma_start3A_155] : memref<10240x128xf32, #tpu.memory_space<vmem_shared>> -> memref<80x128xf32, #tpu.memory_space<vmem_shared>>
      %dma_start3A_157 = arith.constant 0 : i32
      %dma_start3A_158 = arith.constant 0 : i32
      %dma_start3A_159 = tpu.memref_slice %arg9[%dma_start3A_157, %dma_start3A_158] : memref<125x128xf32, #tpu.memory_space<vmem>> -> memref<80x128xf32, #tpu.memory_space<vmem>>
      tpu.enqueue_dma source(%dma_start3A_159 : memref<80x128xf32, #tpu.memory_space<vmem>>) target(%dma_start3A_156 : memref<80x128xf32, #tpu.memory_space<vmem_shared>>) target_semaphore(%run_scoped3A_149 : memref<!tpu.dma_semaphore, #tpu.memory_space<semaphore_mem>>)
      %dma_wait3A = arith.constant 0 : i32
      %dma_wait3A_160 = arith.constant 0 : i32
      %dma_wait3A_161 = tpu.memref_slice %arg9[%dma_wait3A, %dma_wait3A_160] : memref<125x128xf32, #tpu.memory_space<vmem>> -> memref<80x128xf32, #tpu.memory_space<vmem>>
      %dma_wait3A_162 = arith.constant 0 : i32
      %dma_wait3A_163 = tpu.memref_slice %arg6[%add3A_12, %dma_wait3A_162] : memref<10240x128xf32, #tpu.memory_space<vmem_shared>> -> memref<80x128xf32, #tpu.memory_space<vmem_shared>>
      %dma_wait3A_164 = arith.constant 0 : i32
      %dma_wait3A_165 = tpu.memref_slice %arg6[%add3A_12, %dma_wait3A_164] : memref<10240x128xf32, #tpu.memory_space<vmem_shared>> -> memref<80x128xf32, #tpu.memory_space<vmem_shared>>
      %dma_wait3A_166 = arith.constant 0 : i32
      %dma_wait3A_167 = arith.constant 0 : i32
      %dma_wait3A_168 = tpu.memref_slice %arg9[%dma_wait3A_166, %dma_wait3A_167] : memref<125x128xf32, #tpu.memory_space<vmem>> -> memref<80x128xf32, #tpu.memory_space<vmem>>
      tpu.wait_dma2 semaphore(%run_scoped3A_149 : memref<!tpu.dma_semaphore, #tpu.memory_space<semaphore_mem>>) src(%dma_wait3A_168 : memref<80x128xf32, #tpu.memory_space<vmem>>) dst(%dma_wait3A_165 : memref<80x128xf32, #tpu.memory_space<vmem_shared>>)
      tpu.yield
    }) : () -> ()
    %mul3A_13 = arith.constant 640 : i32
    %mul3A_14 = arith.muli %arg1, %mul3A_13 : i32
    %add3A_15 = arith.constant 240 : i32
    %add3A_16 = arith.addi %mul3A_14, %add3A_15 : i32
    "tpu.region"() ({
      %run_scoped3A_149 = tpu.sem_alloc : memref<!tpu.dma_semaphore, #tpu.memory_space<semaphore_mem>>
      %dma_start3A_150 = arith.constant 0 : i32
      %dma_start3A_151 = arith.constant 0 : i32
      %dma_start3A_152 = tpu.memref_slice %arg9[%dma_start3A_150, %dma_start3A_151] : memref<125x128xf32, #tpu.memory_space<vmem>> -> memref<80x128xf32, #tpu.memory_space<vmem>>
      %dma_start3A_153 = arith.constant 0 : i32
      %dma_start3A_154 = tpu.memref_slice %arg6[%add3A_16, %dma_start3A_153] : memref<10240x128xf32, #tpu.memory_space<vmem_shared>> -> memref<80x128xf32, #tpu.memory_space<vmem_shared>>
      %dma_start3A_155 = arith.constant 0 : i32
      %dma_start3A_156 = tpu.memref_slice %arg6[%add3A_16, %dma_start3A_155] : memref<10240x128xf32, #tpu.memory_space<vmem_shared>> -> memref<80x128xf32, #tpu.memory_space<vmem_shared>>
      %dma_start3A_157 = arith.constant 0 : i32
      %dma_start3A_158 = arith.constant 0 : i32
      %dma_start3A_159 = tpu.memref_slice %arg9[%dma_start3A_157, %dma_start3A_158] : memref<125x128xf32, #tpu.memory_space<vmem>> -> memref<80x128xf32, #tpu.memory_space<vmem>>
      tpu.enqueue_dma source(%dma_start3A_159 : memref<80x128xf32, #tpu.memory_space<vmem>>) target(%dma_start3A_156 : memref<80x128xf32, #tpu.memory_space<vmem_shared>>) target_semaphore(%run_scoped3A_149 : memref<!tpu.dma_semaphore, #tpu.memory_space<semaphore_mem>>)
      %dma_wait3A = arith.constant 0 : i32
      %dma_wait3A_160 = arith.constant 0 : i32
      %dma_wait3A_161 = tpu.memref_slice %arg9[%dma_wait3A, %dma_wait3A_160] : memref<125x128xf32, #tpu.memory_space<vmem>> -> memref<80x128xf32, #tpu.memory_space<vmem>>
      %dma_wait3A_162 = arith.constant 0 : i32
      %dma_wait3A_163 = tpu.memref_slice %arg6[%add3A_16, %dma_wait3A_162] : memref<10240x128xf32, #tpu.memory_space<vmem_shared>> -> memref<80x128xf32, #tpu.memory_space<vmem_shared>>
      %dma_wait3A_164 = arith.constant 0 : i32
      %dma_wait3A_165 = tpu.memref_slice %arg6[%add3A_16, %dma_wait3A_164] : memref<10240x128xf32, #tpu.memory_space<vmem_shared>> -> memref<80x128xf32, #tpu.memory_space<vmem_shared>>
      %dma_wait3A_166 = arith.constant 0 : i32
      %dma_wait3A_167 = arith.constant 0 : i32
      %dma_wait3A_168 = tpu.memref_slice %arg9[%dma_wait3A_166, %dma_wait3A_167] : memref<125x128xf32, #tpu.memory_space<vmem>> -> memref<80x128xf32, #tpu.memory_space<vmem>>
      tpu.wait_dma2 semaphore(%run_scoped3A_149 : memref<!tpu.dma_semaphore, #tpu.memory_space<semaphore_mem>>) src(%dma_wait3A_168 : memref<80x128xf32, #tpu.memory_space<vmem>>) dst(%dma_wait3A_165 : memref<80x128xf32, #tpu.memory_space<vmem_shared>>)
      tpu.yield
    }) : () -> ()
    %mul3A_17 = arith.constant 640 : i32
    %mul3A_18 = arith.muli %arg1, %mul3A_17 : i32
    %add3A_19 = arith.constant 320 : i32
    %add3A_20 = arith.addi %mul3A_18, %add3A_19 : i32
    "tpu.region"() ({
      %run_scoped3A_149 = tpu.sem_alloc : memref<!tpu.dma_semaphore, #tpu.memory_space<semaphore_mem>>
      %dma_start3A_150 = arith.constant 0 : i32
      %dma_start3A_151 = arith.constant 0 : i32
      %dma_start3A_152 = tpu.memref_slice %arg9[%dma_start3A_150, %dma_start3A_151] : memref<125x128xf32, #tpu.memory_space<vmem>> -> memref<80x128xf32, #tpu.memory_space<vmem>>
      %dma_start3A_153 = arith.constant 0 : i32
      %dma_start3A_154 = tpu.memref_slice %arg6[%add3A_20, %dma_start3A_153] : memref<10240x128xf32, #tpu.memory_space<vmem_shared>> -> memref<80x128xf32, #tpu.memory_space<vmem_shared>>
      %dma_start3A_155 = arith.constant 0 : i32
      %dma_start3A_156 = tpu.memref_slice %arg6[%add3A_20, %dma_start3A_155] : memref<10240x128xf32, #tpu.memory_space<vmem_shared>> -> memref<80x128xf32, #tpu.memory_space<vmem_shared>>
      %dma_start3A_157 = arith.constant 0 : i32
      %dma_start3A_158 = arith.constant 0 : i32
      %dma_start3A_159 = tpu.memref_slice %arg9[%dma_start3A_157, %dma_start3A_158] : memref<125x128xf32, #tpu.memory_space<vmem>> -> memref<80x128xf32, #tpu.memory_space<vmem>>
      tpu.enqueue_dma source(%dma_start3A_159 : memref<80x128xf32, #tpu.memory_space<vmem>>) target(%dma_start3A_156 : memref<80x128xf32, #tpu.memory_space<vmem_shared>>) target_semaphore(%run_scoped3A_149 : memref<!tpu.dma_semaphore, #tpu.memory_space<semaphore_mem>>)
      %dma_wait3A = arith.constant 0 : i32
      %dma_wait3A_160 = arith.constant 0 : i32
      %dma_wait3A_161 = tpu.memref_slice %arg9[%dma_wait3A, %dma_wait3A_160] : memref<125x128xf32, #tpu.memory_space<vmem>> -> memref<80x128xf32, #tpu.memory_space<vmem>>
      %dma_wait3A_162 = arith.constant 0 : i32
      %dma_wait3A_163 = tpu.memref_slice %arg6[%add3A_20, %dma_wait3A_162] : memref<10240x128xf32, #tpu.memory_space<vmem_shared>> -> memref<80x128xf32, #tpu.memory_space<vmem_shared>>
      %dma_wait3A_164 = arith.constant 0 : i32
      %dma_wait3A_165 = tpu.memref_slice %arg6[%add3A_20, %dma_wait3A_164] : memref<10240x128xf32, #tpu.memory_space<vmem_shared>> -> memref<80x128xf32, #tpu.memory_space<vmem_shared>>
      %dma_wait3A_166 = arith.constant 0 : i32
      %dma_wait3A_167 = arith.constant 0 : i32
      %dma_wait3A_168 = tpu.memref_slice %arg9[%dma_wait3A_166, %dma_wait3A_167] : memref<125x128xf32, #tpu.memory_space<vmem>> -> memref<80x128xf32, #tpu.memory_space<vmem>>
      tpu.wait_dma2 semaphore(%run_scoped3A_149 : memref<!tpu.dma_semaphore, #tpu.memory_space<semaphore_mem>>) src(%dma_wait3A_168 : memref<80x128xf32, #tpu.memory_space<vmem>>) dst(%dma_wait3A_165 : memref<80x128xf32, #tpu.memory_space<vmem_shared>>)
      tpu.yield
    }) : () -> ()
    %mul3A_21 = arith.constant 640 : i32
    %mul3A_22 = arith.muli %arg1, %mul3A_21 : i32
    %add3A_23 = arith.constant 400 : i32
    %add3A_24 = arith.addi %mul3A_22, %add3A_23 : i32
    "tpu.region"() ({
      %run_scoped3A_149 = tpu.sem_alloc : memref<!tpu.dma_semaphore, #tpu.memory_space<semaphore_mem>>
      %dma_start3A_150 = arith.constant 0 : i32
      %dma_start3A_151 = arith.constant 0 : i32
      %dma_start3A_152 = tpu.memref_slice %arg9[%dma_start3A_150, %dma_start3A_151] : memref<125x128xf32, #tpu.memory_space<vmem>> -> memref<80x128xf32, #tpu.memory_space<vmem>>
      %dma_start3A_153 = arith.constant 0 : i32
      %dma_start3A_154 = tpu.memref_slice %arg6[%add3A_24, %dma_start3A_153] : memref<10240x128xf32, #tpu.memory_space<vmem_shared>> -> memref<80x128xf32, #tpu.memory_space<vmem_shared>>
      %dma_start3A_155 = arith.constant 0 : i32
      %dma_start3A_156 = tpu.memref_slice %arg6[%add3A_24, %dma_start3A_155] : memref<10240x128xf32, #tpu.memory_space<vmem_shared>> -> memref<80x128xf32, #tpu.memory_space<vmem_shared>>
      %dma_start3A_157 = arith.constant 0 : i32
      %dma_start3A_158 = arith.constant 0 : i32
      %dma_start3A_159 = tpu.memref_slice %arg9[%dma_start3A_157, %dma_start3A_158] : memref<125x128xf32, #tpu.memory_space<vmem>> -> memref<80x128xf32, #tpu.memory_space<vmem>>
      tpu.enqueue_dma source(%dma_start3A_159 : memref<80x128xf32, #tpu.memory_space<vmem>>) target(%dma_start3A_156 : memref<80x128xf32, #tpu.memory_space<vmem_shared>>) target_semaphore(%run_scoped3A_149 : memref<!tpu.dma_semaphore, #tpu.memory_space<semaphore_mem>>)
      %dma_wait3A = arith.constant 0 : i32
      %dma_wait3A_160 = arith.constant 0 : i32
      %dma_wait3A_161 = tpu.memref_slice %arg9[%dma_wait3A, %dma_wait3A_160] : memref<125x128xf32, #tpu.memory_space<vmem>> -> memref<80x128xf32, #tpu.memory_space<vmem>>
      %dma_wait3A_162 = arith.constant 0 : i32
      %dma_wait3A_163 = tpu.memref_slice %arg6[%add3A_24, %dma_wait3A_162] : memref<10240x128xf32, #tpu.memory_space<vmem_shared>> -> memref<80x128xf32, #tpu.memory_space<vmem_shared>>
      %dma_wait3A_164 = arith.constant 0 : i32
      %dma_wait3A_165 = tpu.memref_slice %arg6[%add3A_24, %dma_wait3A_164] : memref<10240x128xf32, #tpu.memory_space<vmem_shared>> -> memref<80x128xf32, #tpu.memory_space<vmem_shared>>
      %dma_wait3A_166 = arith.constant 0 : i32
      %dma_wait3A_167 = arith.constant 0 : i32
      %dma_wait3A_168 = tpu.memref_slice %arg9[%dma_wait3A_166, %dma_wait3A_167] : memref<125x128xf32, #tpu.memory_space<vmem>> -> memref<80x128xf32, #tpu.memory_space<vmem>>
      tpu.wait_dma2 semaphore(%run_scoped3A_149 : memref<!tpu.dma_semaphore, #tpu.memory_space<semaphore_mem>>) src(%dma_wait3A_168 : memref<80x128xf32, #tpu.memory_space<vmem>>) dst(%dma_wait3A_165 : memref<80x128xf32, #tpu.memory_space<vmem_shared>>)
      tpu.yield
    }) : () -> ()
    %mul3A_25 = arith.constant 640 : i32
    %mul3A_26 = arith.muli %arg1, %mul3A_25 : i32
    %add3A_27 = arith.constant 480 : i32
    %add3A_28 = arith.addi %mul3A_26, %add3A_27 : i32
    "tpu.region"() ({
      %run_scoped3A_149 = tpu.sem_alloc : memref<!tpu.dma_semaphore, #tpu.memory_space<semaphore_mem>>
      %dma_start3A_150 = arith.constant 0 : i32
      %dma_start3A_151 = arith.constant 0 : i32
      %dma_start3A_152 = tpu.memref_slice %arg9[%dma_start3A_150, %dma_start3A_151] : memref<125x128xf32, #tpu.memory_space<vmem>> -> memref<80x128xf32, #tpu.memory_space<vmem>>
      %dma_start3A_153 = arith.constant 0 : i32
      %dma_start3A_154 = tpu.memref_slice %arg6[%add3A_28, %dma_start3A_153] : memref<10240x128xf32, #tpu.memory_space<vmem_shared>> -> memref<80x128xf32, #tpu.memory_space<vmem_shared>>
      %dma_start3A_155 = arith.constant 0 : i32
      %dma_start3A_156 = tpu.memref_slice %arg6[%add3A_28, %dma_start3A_155] : memref<10240x128xf32, #tpu.memory_space<vmem_shared>> -> memref<80x128xf32, #tpu.memory_space<vmem_shared>>
      %dma_start3A_157 = arith.constant 0 : i32
      %dma_start3A_158 = arith.constant 0 : i32
      %dma_start3A_159 = tpu.memref_slice %arg9[%dma_start3A_157, %dma_start3A_158] : memref<125x128xf32, #tpu.memory_space<vmem>> -> memref<80x128xf32, #tpu.memory_space<vmem>>
      tpu.enqueue_dma source(%dma_start3A_159 : memref<80x128xf32, #tpu.memory_space<vmem>>) target(%dma_start3A_156 : memref<80x128xf32, #tpu.memory_space<vmem_shared>>) target_semaphore(%run_scoped3A_149 : memref<!tpu.dma_semaphore, #tpu.memory_space<semaphore_mem>>)
      %dma_wait3A = arith.constant 0 : i32
      %dma_wait3A_160 = arith.constant 0 : i32
      %dma_wait3A_161 = tpu.memref_slice %arg9[%dma_wait3A, %dma_wait3A_160] : memref<125x128xf32, #tpu.memory_space<vmem>> -> memref<80x128xf32, #tpu.memory_space<vmem>>
      %dma_wait3A_162 = arith.constant 0 : i32
      %dma_wait3A_163 = tpu.memref_slice %arg6[%add3A_28, %dma_wait3A_162] : memref<10240x128xf32, #tpu.memory_space<vmem_shared>> -> memref<80x128xf32, #tpu.memory_space<vmem_shared>>
      %dma_wait3A_164 = arith.constant 0 : i32
      %dma_wait3A_165 = tpu.memref_slice %arg6[%add3A_28, %dma_wait3A_164] : memref<10240x128xf32, #tpu.memory_space<vmem_shared>> -> memref<80x128xf32, #tpu.memory_space<vmem_shared>>
      %dma_wait3A_166 = arith.constant 0 : i32
      %dma_wait3A_167 = arith.constant 0 : i32
      %dma_wait3A_168 = tpu.memref_slice %arg9[%dma_wait3A_166, %dma_wait3A_167] : memref<125x128xf32, #tpu.memory_space<vmem>> -> memref<80x128xf32, #tpu.memory_space<vmem>>
      tpu.wait_dma2 semaphore(%run_scoped3A_149 : memref<!tpu.dma_semaphore, #tpu.memory_space<semaphore_mem>>) src(%dma_wait3A_168 : memref<80x128xf32, #tpu.memory_space<vmem>>) dst(%dma_wait3A_165 : memref<80x128xf32, #tpu.memory_space<vmem_shared>>)
      tpu.yield
    }) : () -> ()
    %mul3A_29 = arith.constant 640 : i32
    %mul3A_30 = arith.muli %arg1, %mul3A_29 : i32
    %add3A_31 = arith.constant 560 : i32
    %add3A_32 = arith.addi %mul3A_30, %add3A_31 : i32
    "tpu.region"() ({
      %run_scoped3A_149 = tpu.sem_alloc : memref<!tpu.dma_semaphore, #tpu.memory_space<semaphore_mem>>
      %dma_start3A_150 = arith.constant 0 : i32
      %dma_start3A_151 = arith.constant 0 : i32
      %dma_start3A_152 = tpu.memref_slice %arg9[%dma_start3A_150, %dma_start3A_151] : memref<125x128xf32, #tpu.memory_space<vmem>> -> memref<80x128xf32, #tpu.memory_space<vmem>>
      %dma_start3A_153 = arith.constant 0 : i32
      %dma_start3A_154 = tpu.memref_slice %arg6[%add3A_32, %dma_start3A_153] : memref<10240x128xf32, #tpu.memory_space<vmem_shared>> -> memref<80x128xf32, #tpu.memory_space<vmem_shared>>
      %dma_start3A_155 = arith.constant 0 : i32
      %dma_start3A_156 = tpu.memref_slice %arg6[%add3A_32, %dma_start3A_155] : memref<10240x128xf32, #tpu.memory_space<vmem_shared>> -> memref<80x128xf32, #tpu.memory_space<vmem_shared>>
      %dma_start3A_157 = arith.constant 0 : i32
      %dma_start3A_158 = arith.constant 0 : i32
      %dma_start3A_159 = tpu.memref_slice %arg9[%dma_start3A_157, %dma_start3A_158] : memref<125x128xf32, #tpu.memory_space<vmem>> -> memref<80x128xf32, #tpu.memory_space<vmem>>
      tpu.enqueue_dma source(%dma_start3A_159 : memref<80x128xf32, #tpu.memory_space<vmem>>) target(%dma_start3A_156 : memref<80x128xf32, #tpu.memory_space<vmem_shared>>) target_semaphore(%run_scoped3A_149 : memref<!tpu.dma_semaphore, #tpu.memory_space<semaphore_mem>>)
      %dma_wait3A = arith.constant 0 : i32
      %dma_wait3A_160 = arith.constant 0 : i32
      %dma_wait3A_161 = tpu.memref_slice %arg9[%dma_wait3A, %dma_wait3A_160] : memref<125x128xf32, #tpu.memory_space<vmem>> -> memref<80x128xf32, #tpu.memory_space<vmem>>
      %dma_wait3A_162 = arith.constant 0 : i32
      %dma_wait3A_163 = tpu.memref_slice %arg6[%add3A_32, %dma_wait3A_162] : memref<10240x128xf32, #tpu.memory_space<vmem_shared>> -> memref<80x128xf32, #tpu.memory_space<vmem_shared>>
      %dma_wait3A_164 = arith.constant 0 : i32
      %dma_wait3A_165 = tpu.memref_slice %arg6[%add3A_32, %dma_wait3A_164] : memref<10240x128xf32, #tpu.memory_space<vmem_shared>> -> memref<80x128xf32, #tpu.memory_space<vmem_shared>>
      %dma_wait3A_166 = arith.constant 0 : i32
      %dma_wait3A_167 = arith.constant 0 : i32
      %dma_wait3A_168 = tpu.memref_slice %arg9[%dma_wait3A_166, %dma_wait3A_167] : memref<125x128xf32, #tpu.memory_space<vmem>> -> memref<80x128xf32, #tpu.memory_space<vmem>>
      tpu.wait_dma2 semaphore(%run_scoped3A_149 : memref<!tpu.dma_semaphore, #tpu.memory_space<semaphore_mem>>) src(%dma_wait3A_168 : memref<80x128xf32, #tpu.memory_space<vmem>>) dst(%dma_wait3A_165 : memref<80x128xf32, #tpu.memory_space<vmem_shared>>)
      tpu.yield
    }) : () -> ()
    %barrier3A = arith.constant 0 : index
    tpu.barrier barrier_id(%barrier3A)
    %run_scoped3A = arith.constant 0 : i32
    "tpu.region"() ({
      %run_scoped3A_149 = tpu.sem_alloc : memref<!tpu.dma_semaphore, #tpu.memory_space<semaphore_mem>>
      %dma_start3A_150 = arith.constant 0 : i32
      %dma_start3A_151 = arith.constant 0 : i32
      %dma_start3A_152 = tpu.memref_slice %arg3[%run_scoped3A, %add3A, %dma_start3A_150, %dma_start3A_151] : memref<2x32x80x125xi32, #tpu.memory_space<hbm>> -> memref<1x1x40x125xi32, #tpu.memory_space<hbm>>
      %dma_start3A_153 = tpu.memref_squeeze %dma_start3A_152 : memref<1x1x40x125xi32, #tpu.memory_space<hbm>> -> memref<40x125xi32, #tpu.memory_space<hbm>>
      %dma_start3A_154 = arith.constant 0 : i32
      %dma_start3A_155 = arith.constant 0 : i32
      %dma_start3A_156 = tpu.memref_slice %arg3[%run_scoped3A, %add3A, %dma_start3A_154, %dma_start3A_155] : memref<2x32x80x125xi32, #tpu.memory_space<hbm>> -> memref<1x1x40x125xi32, #tpu.memory_space<hbm>>
      %dma_start3A_157 = tpu.memref_squeeze %dma_start3A_156 : memref<1x1x40x125xi32, #tpu.memory_space<hbm>> -> memref<40x125xi32, #tpu.memory_space<hbm>>
      tpu.enqueue_dma source(%dma_start3A_157 : memref<40x125xi32, #tpu.memory_space<hbm>>) target(%arg7 : memref<40x125xi32, #tpu.memory_space<vmem>>) target_semaphore(%run_scoped3A_149 : memref<!tpu.dma_semaphore, #tpu.memory_space<semaphore_mem>>)
      %dma_wait3A = arith.constant 0 : i32
      %dma_wait3A_158 = arith.constant 0 : i32
      %dma_wait3A_159 = tpu.memref_slice %arg3[%run_scoped3A, %add3A, %dma_wait3A, %dma_wait3A_158] : memref<2x32x80x125xi32, #tpu.memory_space<hbm>> -> memref<1x1x40x125xi32, #tpu.memory_space<hbm>>
      %dma_wait3A_160 = tpu.memref_squeeze %dma_wait3A_159 : memref<1x1x40x125xi32, #tpu.memory_space<hbm>> -> memref<40x125xi32, #tpu.memory_space<hbm>>
      %dma_wait3A_161 = arith.constant 0 : i32
      %dma_wait3A_162 = arith.constant 0 : i32
      %dma_wait3A_163 = tpu.memref_slice %arg3[%run_scoped3A, %add3A, %dma_wait3A_161, %dma_wait3A_162] : memref<2x32x80x125xi32, #tpu.memory_space<hbm>> -> memref<1x1x40x125xi32, #tpu.memory_space<hbm>>
      %dma_wait3A_164 = tpu.memref_squeeze %dma_wait3A_163 : memref<1x1x40x125xi32, #tpu.memory_space<hbm>> -> memref<40x125xi32, #tpu.memory_space<hbm>>
      tpu.wait_dma2 semaphore(%run_scoped3A_149 : memref<!tpu.dma_semaphore, #tpu.memory_space<semaphore_mem>>) src(%dma_wait3A_164 : memref<40x125xi32, #tpu.memory_space<hbm>>) dst(%arg7 : memref<40x125xi32, #tpu.memory_space<vmem>>)
      tpu.yield
    }) : () -> ()
    %run_scoped3A_33 = arith.constant 1 : i32
    "tpu.region"() ({
      %run_scoped3A_149 = tpu.sem_alloc : memref<!tpu.dma_semaphore, #tpu.memory_space<semaphore_mem>>
      %dma_start3A_150 = arith.constant 0 : i32
      %dma_start3A_151 = arith.constant 0 : i32
      %dma_start3A_152 = tpu.memref_slice %arg3[%run_scoped3A_33, %add3A, %dma_start3A_150, %dma_start3A_151] : memref<2x32x80x125xi32, #tpu.memory_space<hbm>> -> memref<1x1x40x125xi32, #tpu.memory_space<hbm>>
      %dma_start3A_153 = tpu.memref_squeeze %dma_start3A_152 : memref<1x1x40x125xi32, #tpu.memory_space<hbm>> -> memref<40x125xi32, #tpu.memory_space<hbm>>
      %dma_start3A_154 = arith.constant 0 : i32
      %dma_start3A_155 = arith.constant 0 : i32
      %dma_start3A_156 = tpu.memref_slice %arg3[%run_scoped3A_33, %add3A, %dma_start3A_154, %dma_start3A_155] : memref<2x32x80x125xi32, #tpu.memory_space<hbm>> -> memref<1x1x40x125xi32, #tpu.memory_space<hbm>>
      %dma_start3A_157 = tpu.memref_squeeze %dma_start3A_156 : memref<1x1x40x125xi32, #tpu.memory_space<hbm>> -> memref<40x125xi32, #tpu.memory_space<hbm>>
      tpu.enqueue_dma source(%dma_start3A_157 : memref<40x125xi32, #tpu.memory_space<hbm>>) target(%arg8 : memref<40x125xi32, #tpu.memory_space<vmem>>) target_semaphore(%run_scoped3A_149 : memref<!tpu.dma_semaphore, #tpu.memory_space<semaphore_mem>>)
      %dma_wait3A = arith.constant 0 : i32
      %dma_wait3A_158 = arith.constant 0 : i32
      %dma_wait3A_159 = tpu.memref_slice %arg3[%run_scoped3A_33, %add3A, %dma_wait3A, %dma_wait3A_158] : memref<2x32x80x125xi32, #tpu.memory_space<hbm>> -> memref<1x1x40x125xi32, #tpu.memory_space<hbm>>
      %dma_wait3A_160 = tpu.memref_squeeze %dma_wait3A_159 : memref<1x1x40x125xi32, #tpu.memory_space<hbm>> -> memref<40x125xi32, #tpu.memory_space<hbm>>
      %dma_wait3A_161 = arith.constant 0 : i32
      %dma_wait3A_162 = arith.constant 0 : i32
      %dma_wait3A_163 = tpu.memref_slice %arg3[%run_scoped3A_33, %add3A, %dma_wait3A_161, %dma_wait3A_162] : memref<2x32x80x125xi32, #tpu.memory_space<hbm>> -> memref<1x1x40x125xi32, #tpu.memory_space<hbm>>
      %dma_wait3A_164 = tpu.memref_squeeze %dma_wait3A_163 : memref<1x1x40x125xi32, #tpu.memory_space<hbm>> -> memref<40x125xi32, #tpu.memory_space<hbm>>
      tpu.wait_dma2 semaphore(%run_scoped3A_149 : memref<!tpu.dma_semaphore, #tpu.memory_space<semaphore_mem>>) src(%dma_wait3A_164 : memref<40x125xi32, #tpu.memory_space<hbm>>) dst(%arg8 : memref<40x125xi32, #tpu.memory_space<vmem>>)
      tpu.yield
    }) : () -> ()
    %dma_start3A = arith.constant 0 : i32
    %dma_start3A_34 = arith.constant 0 : i32
    %dma_start3A_35 = tpu.memref_slice %arg8[%dma_start3A, %dma_start3A_34] : memref<40x125xi32, #tpu.memory_space<vmem>> -> memref<1x125xi32, #tpu.memory_space<vmem>>
    %dma_start3A_36 = tpu.memref_squeeze %dma_start3A_35 : memref<1x125xi32, #tpu.memory_space<vmem>> -> memref<125xi32, #tpu.memory_space<vmem>>
    %dma_start3A_37 = arith.constant 0 : i32
    %dma_start3A_38 = arith.constant 0 : i32
    %dma_start3A_39 = tpu.memref_slice %arg2[%dma_start3A_37, %dma_start3A_38] : memref<10000x128xf32, #tpu.memory_space<hbm>> -> memref<10000x128xf32, #tpu.memory_space<hbm>>
    tpu.enqueue_indirect_dma source(%dma_start3A_39 : memref<10000x128xf32, #tpu.memory_space<hbm>>) target(%arg9 : memref<125x128xf32, #tpu.memory_space<vmem>>) offsets(%dma_start3A_36 : memref<125xi32, #tpu.memory_space<vmem>>) semaphore(%arg11 : memref<!tpu.dma_semaphore, #tpu.memory_space<semaphore_mem>>)
    %scan3A = arith.constant 0 : i32
    %scan3A_40 = arith.constant 0 : i32
    %scan3A_41 = arith.constant 20 : i32
    %scan3A_42 = arith.addi %scan3A_40, %scan3A_41 : i32
    %scan3A_43 = arith.constant 1 : i32
    scf.for %scan3A_149 = %scan3A_40 to %scan3A_42 step %scan3A_43  : i32 {
      %mul3A_150 = arith.constant 2 : i32
      %mul3A_151 = arith.muli %scan3A_149, %mul3A_150 : i32
      %add3A_152 = arith.constant 1 : i32
      %add3A_153 = arith.addi %mul3A_151, %add3A_152 : i32
      %dma_start3A_154 = arith.constant 0 : i32
      %dma_start3A_155 = tpu.memref_slice %arg8[%add3A_153, %dma_start3A_154] : memref<40x125xi32, #tpu.memory_space<vmem>> -> memref<1x125xi32, #tpu.memory_space<vmem>>
      %dma_start3A_156 = tpu.memref_squeeze %dma_start3A_155 : memref<1x125xi32, #tpu.memory_space<vmem>> -> memref<125xi32, #tpu.memory_space<vmem>>
      %dma_start3A_157 = arith.constant 0 : i32
      %dma_start3A_158 = arith.constant 0 : i32
      %dma_start3A_159 = tpu.memref_slice %arg2[%dma_start3A_157, %dma_start3A_158] : memref<10000x128xf32, #tpu.memory_space<hbm>> -> memref<10000x128xf32, #tpu.memory_space<hbm>>
      tpu.enqueue_indirect_dma source(%dma_start3A_159 : memref<10000x128xf32, #tpu.memory_space<hbm>>) target(%arg10 : memref<125x128xf32, #tpu.memory_space<vmem>>) offsets(%dma_start3A_156 : memref<125xi32, #tpu.memory_space<vmem>>) semaphore(%arg12 : memref<!tpu.dma_semaphore, #tpu.memory_space<semaphore_mem>>)
      %dma_wait3A = arith.constant 0 : i32
      %dma_wait3A_160 = tpu.memref_slice %arg8[%mul3A_151, %dma_wait3A] : memref<40x125xi32, #tpu.memory_space<vmem>> -> memref<1x125xi32, #tpu.memory_space<vmem>>
      %dma_wait3A_161 = tpu.memref_squeeze %dma_wait3A_160 : memref<1x125xi32, #tpu.memory_space<vmem>> -> memref<125xi32, #tpu.memory_space<vmem>>
      %dma_wait3A_162 = arith.constant 0 : i32
      %dma_wait3A_163 = arith.constant 0 : i32
      %dma_wait3A_164 = tpu.memref_slice %arg2[%dma_wait3A_162, %dma_wait3A_163] : memref<10000x128xf32, #tpu.memory_space<hbm>> -> memref<10000x128xf32, #tpu.memory_space<hbm>>
      tpu.wait_indirect_dma semaphore(%arg11 : memref<!tpu.dma_semaphore, #tpu.memory_space<semaphore_mem>>) src(%dma_wait3A_164 : memref<10000x128xf32, #tpu.memory_space<hbm>>) dst(%arg9 : memref<125x128xf32, #tpu.memory_space<vmem>>)
      "tpu.region"() ({
        %run_scoped3A_179 = tpu.sem_alloc : memref<!tpu.dma_semaphore, #tpu.memory_space<semaphore_mem>>
        %dma_start3A_180 = arith.constant 0 : i32
        %dma_start3A_181 = tpu.memref_slice %arg7[%mul3A_151, %dma_start3A_180] : memref<40x125xi32, #tpu.memory_space<vmem>> -> memref<1x125xi32, #tpu.memory_space<vmem>>
        %dma_start3A_182 = tpu.memref_squeeze %dma_start3A_181 : memref<1x125xi32, #tpu.memory_space<vmem>> -> memref<125xi32, #tpu.memory_space<vmem>>
        %dma_start3A_183 = arith.constant 0 : i32
        %dma_start3A_184 = arith.constant 0 : i32
        %dma_start3A_185 = tpu.memref_slice %arg6[%dma_start3A_183, %dma_start3A_184] : memref<10240x128xf32, #tpu.memory_space<vmem_shared>> -> memref<10240x128xf32, #tpu.memory_space<vmem_shared>>
        tpu.enqueue_indirect_dma source(%arg9 : memref<125x128xf32, #tpu.memory_space<vmem>>) target(%dma_start3A_185 : memref<10240x128xf32, #tpu.memory_space<vmem_shared>>) offsets(%dma_start3A_182 : memref<125xi32, #tpu.memory_space<vmem>>) semaphore(%run_scoped3A_179 : memref<!tpu.dma_semaphore, #tpu.memory_space<semaphore_mem>>) {add = true}
        %dma_wait3A_186 = arith.constant 0 : i32
        %dma_wait3A_187 = tpu.memref_slice %arg7[%mul3A_151, %dma_wait3A_186] : memref<40x125xi32, #tpu.memory_space<vmem>> -> memref<1x125xi32, #tpu.memory_space<vmem>>
        %dma_wait3A_188 = tpu.memref_squeeze %dma_wait3A_187 : memref<1x125xi32, #tpu.memory_space<vmem>> -> memref<125xi32, #tpu.memory_space<vmem>>
        %dma_wait3A_189 = arith.constant 0 : i32
        %dma_wait3A_190 = arith.constant 0 : i32
        %dma_wait3A_191 = tpu.memref_slice %arg6[%dma_wait3A_189, %dma_wait3A_190] : memref<10240x128xf32, #tpu.memory_space<vmem_shared>> -> memref<10240x128xf32, #tpu.memory_space<vmem_shared>>
        tpu.wait_indirect_dma semaphore(%run_scoped3A_179 : memref<!tpu.dma_semaphore, #tpu.memory_space<semaphore_mem>>) src(%arg9 : memref<125x128xf32, #tpu.memory_space<vmem>>) dst(%dma_wait3A_191 : memref<10240x128xf32, #tpu.memory_space<vmem_shared>>)
        tpu.yield
      }) : () -> ()
      %add3A_165 = arith.constant 2 : i32
      %add3A_166 = arith.addi %mul3A_151, %add3A_165 : i32
      %lt3A = arith.constant 40 : i32
      %lt3A_167 = arith.cmpi slt, %add3A_166, %lt3A : i32
      %convert_element_type3A = arith.extui %lt3A_167 : i1 to i32
      %cond3A = arith.constant 0 : i32
      %cond3A_168 = arith.cmpi ne, %convert_element_type3A, %cond3A : i32
      scf.if %cond3A_168 {
        %add3A_179 = arith.constant 2 : i32
        %add3A_180 = arith.addi %mul3A_151, %add3A_179 : i32
        %dma_start3A_181 = arith.constant 0 : i32
        %dma_start3A_182 = tpu.memref_slice %arg8[%add3A_180, %dma_start3A_181] : memref<40x125xi32, #tpu.memory_space<vmem>> -> memref<1x125xi32, #tpu.memory_space<vmem>>
        %dma_start3A_183 = tpu.memref_squeeze %dma_start3A_182 : memref<1x125xi32, #tpu.memory_space<vmem>> -> memref<125xi32, #tpu.memory_space<vmem>>
        %dma_start3A_184 = arith.constant 0 : i32
        %dma_start3A_185 = arith.constant 0 : i32
        %dma_start3A_186 = tpu.memref_slice %arg2[%dma_start3A_184, %dma_start3A_185] : memref<10000x128xf32, #tpu.memory_space<hbm>> -> memref<10000x128xf32, #tpu.memory_space<hbm>>
        tpu.enqueue_indirect_dma source(%dma_start3A_186 : memref<10000x128xf32, #tpu.memory_space<hbm>>) target(%arg9 : memref<125x128xf32, #tpu.memory_space<vmem>>) offsets(%dma_start3A_183 : memref<125xi32, #tpu.memory_space<vmem>>) semaphore(%arg11 : memref<!tpu.dma_semaphore, #tpu.memory_space<semaphore_mem>>)
      } else {
      }
      %add3A_169 = arith.constant 1 : i32
      %add3A_170 = arith.addi %mul3A_151, %add3A_169 : i32
      %dma_wait3A_171 = arith.constant 0 : i32
      %dma_wait3A_172 = tpu.memref_slice %arg8[%add3A_170, %dma_wait3A_171] : memref<40x125xi32, #tpu.memory_space<vmem>> -> memref<1x125xi32, #tpu.memory_space<vmem>>
      %dma_wait3A_173 = tpu.memref_squeeze %dma_wait3A_172 : memref<1x125xi32, #tpu.memory_space<vmem>> -> memref<125xi32, #tpu.memory_space<vmem>>
      %dma_wait3A_174 = arith.constant 0 : i32
      %dma_wait3A_175 = arith.constant 0 : i32
      %dma_wait3A_176 = tpu.memref_slice %arg2[%dma_wait3A_174, %dma_wait3A_175] : memref<10000x128xf32, #tpu.memory_space<hbm>> -> memref<10000x128xf32, #tpu.memory_space<hbm>>
      tpu.wait_indirect_dma semaphore(%arg12 : memref<!tpu.dma_semaphore, #tpu.memory_space<semaphore_mem>>) src(%dma_wait3A_176 : memref<10000x128xf32, #tpu.memory_space<hbm>>) dst(%arg10 : memref<125x128xf32, #tpu.memory_space<vmem>>)
      %add3A_177 = arith.constant 1 : i32
      %add3A_178 = arith.addi %mul3A_151, %add3A_177 : i32
      "tpu.region"() ({
        %run_scoped3A_179 = tpu.sem_alloc : memref<!tpu.dma_semaphore, #tpu.memory_space<semaphore_mem>>
        %dma_start3A_180 = arith.constant 0 : i32
        %dma_start3A_181 = tpu.memref_slice %arg7[%add3A_178, %dma_start3A_180] : memref<40x125xi32, #tpu.memory_space<vmem>> -> memref<1x125xi32, #tpu.memory_space<vmem>>
        %dma_start3A_182 = tpu.memref_squeeze %dma_start3A_181 : memref<1x125xi32, #tpu.memory_space<vmem>> -> memref<125xi32, #tpu.memory_space<vmem>>
        %dma_start3A_183 = arith.constant 0 : i32
        %dma_start3A_184 = arith.constant 0 : i32
        %dma_start3A_185 = tpu.memref_slice %arg6[%dma_start3A_183, %dma_start3A_184] : memref<10240x128xf32, #tpu.memory_space<vmem_shared>> -> memref<10240x128xf32, #tpu.memory_space<vmem_shared>>
        tpu.enqueue_indirect_dma source(%arg10 : memref<125x128xf32, #tpu.memory_space<vmem>>) target(%dma_start3A_185 : memref<10240x128xf32, #tpu.memory_space<vmem_shared>>) offsets(%dma_start3A_182 : memref<125xi32, #tpu.memory_space<vmem>>) semaphore(%run_scoped3A_179 : memref<!tpu.dma_semaphore, #tpu.memory_space<semaphore_mem>>) {add = true}
        %dma_wait3A_186 = arith.constant 0 : i32
        %dma_wait3A_187 = tpu.memref_slice %arg7[%add3A_178, %dma_wait3A_186] : memref<40x125xi32, #tpu.memory_space<vmem>> -> memref<1x125xi32, #tpu.memory_space<vmem>>
        %dma_wait3A_188 = tpu.memref_squeeze %dma_wait3A_187 : memref<1x125xi32, #tpu.memory_space<vmem>> -> memref<125xi32, #tpu.memory_space<vmem>>
        %dma_wait3A_189 = arith.constant 0 : i32
        %dma_wait3A_190 = arith.constant 0 : i32
        %dma_wait3A_191 = tpu.memref_slice %arg6[%dma_wait3A_189, %dma_wait3A_190] : memref<10240x128xf32, #tpu.memory_space<vmem_shared>> -> memref<10240x128xf32, #tpu.memory_space<vmem_shared>>
        tpu.wait_indirect_dma semaphore(%run_scoped3A_179 : memref<!tpu.dma_semaphore, #tpu.memory_space<semaphore_mem>>) src(%arg10 : memref<125x128xf32, #tpu.memory_space<vmem>>) dst(%dma_wait3A_191 : memref<10240x128xf32, #tpu.memory_space<vmem_shared>>)
        tpu.yield
      }) : () -> ()
    }
    %scan3A_44 = arith.constant 20 : i32
    %run_scoped3A_45 = arith.constant 0 : i32
    "tpu.region"() ({
      %run_scoped3A_149 = tpu.sem_alloc : memref<!tpu.dma_semaphore, #tpu.memory_space<semaphore_mem>>
      %dma_start3A_150 = arith.constant 40 : i32
      %dma_start3A_151 = arith.constant 0 : i32
      %dma_start3A_152 = tpu.memref_slice %arg3[%run_scoped3A_45, %add3A, %dma_start3A_150, %dma_start3A_151] : memref<2x32x80x125xi32, #tpu.memory_space<hbm>> -> memref<1x1x40x125xi32, #tpu.memory_space<hbm>>
      %dma_start3A_153 = tpu.memref_squeeze %dma_start3A_152 : memref<1x1x40x125xi32, #tpu.memory_space<hbm>> -> memref<40x125xi32, #tpu.memory_space<hbm>>
      %dma_start3A_154 = arith.constant 40 : i32
      %dma_start3A_155 = arith.constant 0 : i32
      %dma_start3A_156 = tpu.memref_slice %arg3[%run_scoped3A_45, %add3A, %dma_start3A_154, %dma_start3A_155] : memref<2x32x80x125xi32, #tpu.memory_space<hbm>> -> memref<1x1x40x125xi32, #tpu.memory_space<hbm>>
      %dma_start3A_157 = tpu.memref_squeeze %dma_start3A_156 : memref<1x1x40x125xi32, #tpu.memory_space<hbm>> -> memref<40x125xi32, #tpu.memory_space<hbm>>
      tpu.enqueue_dma source(%dma_start3A_157 : memref<40x125xi32, #tpu.memory_space<hbm>>) target(%arg7 : memref<40x125xi32, #tpu.memory_space<vmem>>) target_semaphore(%run_scoped3A_149 : memref<!tpu.dma_semaphore, #tpu.memory_space<semaphore_mem>>)
      %dma_wait3A = arith.constant 40 : i32
      %dma_wait3A_158 = arith.constant 0 : i32
      %dma_wait3A_159 = tpu.memref_slice %arg3[%run_scoped3A_45, %add3A, %dma_wait3A, %dma_wait3A_158] : memref<2x32x80x125xi32, #tpu.memory_space<hbm>> -> memref<1x1x40x125xi32, #tpu.memory_space<hbm>>
      %dma_wait3A_160 = tpu.memref_squeeze %dma_wait3A_159 : memref<1x1x40x125xi32, #tpu.memory_space<hbm>> -> memref<40x125xi32, #tpu.memory_space<hbm>>
      %dma_wait3A_161 = arith.constant 40 : i32
      %dma_wait3A_162 = arith.constant 0 : i32
      %dma_wait3A_163 = tpu.memref_slice %arg3[%run_scoped3A_45, %add3A, %dma_wait3A_161, %dma_wait3A_162] : memref<2x32x80x125xi32, #tpu.memory_space<hbm>> -> memref<1x1x40x125xi32, #tpu.memory_space<hbm>>
      %dma_wait3A_164 = tpu.memref_squeeze %dma_wait3A_163 : memref<1x1x40x125xi32, #tpu.memory_space<hbm>> -> memref<40x125xi32, #tpu.memory_space<hbm>>
      tpu.wait_dma2 semaphore(%run_scoped3A_149 : memref<!tpu.dma_semaphore, #tpu.memory_space<semaphore_mem>>) src(%dma_wait3A_164 : memref<40x125xi32, #tpu.memory_space<hbm>>) dst(%arg7 : memref<40x125xi32, #tpu.memory_space<vmem>>)
      tpu.yield
    }) : () -> ()
    %run_scoped3A_46 = arith.constant 1 : i32
    "tpu.region"() ({
      %run_scoped3A_149 = tpu.sem_alloc : memref<!tpu.dma_semaphore, #tpu.memory_space<semaphore_mem>>
      %dma_start3A_150 = arith.constant 40 : i32
      %dma_start3A_151 = arith.constant 0 : i32
      %dma_start3A_152 = tpu.memref_slice %arg3[%run_scoped3A_46, %add3A, %dma_start3A_150, %dma_start3A_151] : memref<2x32x80x125xi32, #tpu.memory_space<hbm>> -> memref<1x1x40x125xi32, #tpu.memory_space<hbm>>
      %dma_start3A_153 = tpu.memref_squeeze %dma_start3A_152 : memref<1x1x40x125xi32, #tpu.memory_space<hbm>> -> memref<40x125xi32, #tpu.memory_space<hbm>>
      %dma_start3A_154 = arith.constant 40 : i32
      %dma_start3A_155 = arith.constant 0 : i32
      %dma_start3A_156 = tpu.memref_slice %arg3[%run_scoped3A_46, %add3A, %dma_start3A_154, %dma_start3A_155] : memref<2x32x80x125xi32, #tpu.memory_space<hbm>> -> memref<1x1x40x125xi32, #tpu.memory_space<hbm>>
      %dma_start3A_157 = tpu.memref_squeeze %dma_start3A_156 : memref<1x1x40x125xi32, #tpu.memory_space<hbm>> -> memref<40x125xi32, #tpu.memory_space<hbm>>
      tpu.enqueue_dma source(%dma_start3A_157 : memref<40x125xi32, #tpu.memory_space<hbm>>) target(%arg8 : memref<40x125xi32, #tpu.memory_space<vmem>>) target_semaphore(%run_scoped3A_149 : memref<!tpu.dma_semaphore, #tpu.memory_space<semaphore_mem>>)
      %dma_wait3A = arith.constant 40 : i32
      %dma_wait3A_158 = arith.constant 0 : i32
      %dma_wait3A_159 = tpu.memref_slice %arg3[%run_scoped3A_46, %add3A, %dma_wait3A, %dma_wait3A_158] : memref<2x32x80x125xi32, #tpu.memory_space<hbm>> -> memref<1x1x40x125xi32, #tpu.memory_space<hbm>>
      %dma_wait3A_160 = tpu.memref_squeeze %dma_wait3A_159 : memref<1x1x40x125xi32, #tpu.memory_space<hbm>> -> memref<40x125xi32, #tpu.memory_space<hbm>>
      %dma_wait3A_161 = arith.constant 40 : i32
      %dma_wait3A_162 = arith.constant 0 : i32
      %dma_wait3A_163 = tpu.memref_slice %arg3[%run_scoped3A_46, %add3A, %dma_wait3A_161, %dma_wait3A_162] : memref<2x32x80x125xi32, #tpu.memory_space<hbm>> -> memref<1x1x40x125xi32, #tpu.memory_space<hbm>>
      %dma_wait3A_164 = tpu.memref_squeeze %dma_wait3A_163 : memref<1x1x40x125xi32, #tpu.memory_space<hbm>> -> memref<40x125xi32, #tpu.memory_space<hbm>>
      tpu.wait_dma2 semaphore(%run_scoped3A_149 : memref<!tpu.dma_semaphore, #tpu.memory_space<semaphore_mem>>) src(%dma_wait3A_164 : memref<40x125xi32, #tpu.memory_space<hbm>>) dst(%arg8 : memref<40x125xi32, #tpu.memory_space<vmem>>)
      tpu.yield
    }) : () -> ()
    %dma_start3A_47 = arith.constant 0 : i32
    %dma_start3A_48 = arith.constant 0 : i32
    %dma_start3A_49 = tpu.memref_slice %arg8[%dma_start3A_47, %dma_start3A_48] : memref<40x125xi32, #tpu.memory_space<vmem>> -> memref<1x125xi32, #tpu.memory_space<vmem>>
    %dma_start3A_50 = tpu.memref_squeeze %dma_start3A_49 : memref<1x125xi32, #tpu.memory_space<vmem>> -> memref<125xi32, #tpu.memory_space<vmem>>
    %dma_start3A_51 = arith.constant 0 : i32
    %dma_start3A_52 = arith.constant 0 : i32
    %dma_start3A_53 = tpu.memref_slice %arg2[%dma_start3A_51, %dma_start3A_52] : memref<10000x128xf32, #tpu.memory_space<hbm>> -> memref<10000x128xf32, #tpu.memory_space<hbm>>
    tpu.enqueue_indirect_dma source(%dma_start3A_53 : memref<10000x128xf32, #tpu.memory_space<hbm>>) target(%arg9 : memref<125x128xf32, #tpu.memory_space<vmem>>) offsets(%dma_start3A_50 : memref<125xi32, #tpu.memory_space<vmem>>) semaphore(%arg11 : memref<!tpu.dma_semaphore, #tpu.memory_space<semaphore_mem>>)
    %scan3A_54 = arith.constant 0 : i32
    %scan3A_55 = arith.constant 0 : i32
    %scan3A_56 = arith.constant 20 : i32
    %scan3A_57 = arith.addi %scan3A_55, %scan3A_56 : i32
    %scan3A_58 = arith.constant 1 : i32
    scf.for %scan3A_149 = %scan3A_55 to %scan3A_57 step %scan3A_58  : i32 {
      %mul3A_150 = arith.constant 2 : i32
      %mul3A_151 = arith.muli %scan3A_149, %mul3A_150 : i32
      %add3A_152 = arith.constant 1 : i32
      %add3A_153 = arith.addi %mul3A_151, %add3A_152 : i32
      %dma_start3A_154 = arith.constant 0 : i32
      %dma_start3A_155 = tpu.memref_slice %arg8[%add3A_153, %dma_start3A_154] : memref<40x125xi32, #tpu.memory_space<vmem>> -> memref<1x125xi32, #tpu.memory_space<vmem>>
      %dma_start3A_156 = tpu.memref_squeeze %dma_start3A_155 : memref<1x125xi32, #tpu.memory_space<vmem>> -> memref<125xi32, #tpu.memory_space<vmem>>
      %dma_start3A_157 = arith.constant 0 : i32
      %dma_start3A_158 = arith.constant 0 : i32
      %dma_start3A_159 = tpu.memref_slice %arg2[%dma_start3A_157, %dma_start3A_158] : memref<10000x128xf32, #tpu.memory_space<hbm>> -> memref<10000x128xf32, #tpu.memory_space<hbm>>
      tpu.enqueue_indirect_dma source(%dma_start3A_159 : memref<10000x128xf32, #tpu.memory_space<hbm>>) target(%arg10 : memref<125x128xf32, #tpu.memory_space<vmem>>) offsets(%dma_start3A_156 : memref<125xi32, #tpu.memory_space<vmem>>) semaphore(%arg12 : memref<!tpu.dma_semaphore, #tpu.memory_space<semaphore_mem>>)
      %dma_wait3A = arith.constant 0 : i32
      %dma_wait3A_160 = tpu.memref_slice %arg8[%mul3A_151, %dma_wait3A] : memref<40x125xi32, #tpu.memory_space<vmem>> -> memref<1x125xi32, #tpu.memory_space<vmem>>
      %dma_wait3A_161 = tpu.memref_squeeze %dma_wait3A_160 : memref<1x125xi32, #tpu.memory_space<vmem>> -> memref<125xi32, #tpu.memory_space<vmem>>
      %dma_wait3A_162 = arith.constant 0 : i32
      %dma_wait3A_163 = arith.constant 0 : i32
      %dma_wait3A_164 = tpu.memref_slice %arg2[%dma_wait3A_162, %dma_wait3A_163] : memref<10000x128xf32, #tpu.memory_space<hbm>> -> memref<10000x128xf32, #tpu.memory_space<hbm>>
      tpu.wait_indirect_dma semaphore(%arg11 : memref<!tpu.dma_semaphore, #tpu.memory_space<semaphore_mem>>) src(%dma_wait3A_164 : memref<10000x128xf32, #tpu.memory_space<hbm>>) dst(%arg9 : memref<125x128xf32, #tpu.memory_space<vmem>>)
      "tpu.region"() ({
        %run_scoped3A_179 = tpu.sem_alloc : memref<!tpu.dma_semaphore, #tpu.memory_space<semaphore_mem>>
        %dma_start3A_180 = arith.constant 0 : i32
        %dma_start3A_181 = tpu.memref_slice %arg7[%mul3A_151, %dma_start3A_180] : memref<40x125xi32, #tpu.memory_space<vmem>> -> memref<1x125xi32, #tpu.memory_space<vmem>>
        %dma_start3A_182 = tpu.memref_squeeze %dma_start3A_181 : memref<1x125xi32, #tpu.memory_space<vmem>> -> memref<125xi32, #tpu.memory_space<vmem>>
        %dma_start3A_183 = arith.constant 0 : i32
        %dma_start3A_184 = arith.constant 0 : i32
        %dma_start3A_185 = tpu.memref_slice %arg6[%dma_start3A_183, %dma_start3A_184] : memref<10240x128xf32, #tpu.memory_space<vmem_shared>> -> memref<10240x128xf32, #tpu.memory_space<vmem_shared>>
        tpu.enqueue_indirect_dma source(%arg9 : memref<125x128xf32, #tpu.memory_space<vmem>>) target(%dma_start3A_185 : memref<10240x128xf32, #tpu.memory_space<vmem_shared>>) offsets(%dma_start3A_182 : memref<125xi32, #tpu.memory_space<vmem>>) semaphore(%run_scoped3A_179 : memref<!tpu.dma_semaphore, #tpu.memory_space<semaphore_mem>>) {add = true}
        %dma_wait3A_186 = arith.constant 0 : i32
        %dma_wait3A_187 = tpu.memref_slice %arg7[%mul3A_151, %dma_wait3A_186] : memref<40x125xi32, #tpu.memory_space<vmem>> -> memref<1x125xi32, #tpu.memory_space<vmem>>
        %dma_wait3A_188 = tpu.memref_squeeze %dma_wait3A_187 : memref<1x125xi32, #tpu.memory_space<vmem>> -> memref<125xi32, #tpu.memory_space<vmem>>
        %dma_wait3A_189 = arith.constant 0 : i32
        %dma_wait3A_190 = arith.constant 0 : i32
        %dma_wait3A_191 = tpu.memref_slice %arg6[%dma_wait3A_189, %dma_wait3A_190] : memref<10240x128xf32, #tpu.memory_space<vmem_shared>> -> memref<10240x128xf32, #tpu.memory_space<vmem_shared>>
        tpu.wait_indirect_dma semaphore(%run_scoped3A_179 : memref<!tpu.dma_semaphore, #tpu.memory_space<semaphore_mem>>) src(%arg9 : memref<125x128xf32, #tpu.memory_space<vmem>>) dst(%dma_wait3A_191 : memref<10240x128xf32, #tpu.memory_space<vmem_shared>>)
        tpu.yield
      }) : () -> ()
      %add3A_165 = arith.constant 2 : i32
      %add3A_166 = arith.addi %mul3A_151, %add3A_165 : i32
      %lt3A = arith.constant 40 : i32
      %lt3A_167 = arith.cmpi slt, %add3A_166, %lt3A : i32
      %convert_element_type3A = arith.extui %lt3A_167 : i1 to i32
      %cond3A = arith.constant 0 : i32
      %cond3A_168 = arith.cmpi ne, %convert_element_type3A, %cond3A : i32
      scf.if %cond3A_168 {
        %add3A_179 = arith.constant 2 : i32
        %add3A_180 = arith.addi %mul3A_151, %add3A_179 : i32
        %dma_start3A_181 = arith.constant 0 : i32
        %dma_start3A_182 = tpu.memref_slice %arg8[%add3A_180, %dma_start3A_181] : memref<40x125xi32, #tpu.memory_space<vmem>> -> memref<1x125xi32, #tpu.memory_space<vmem>>
        %dma_start3A_183 = tpu.memref_squeeze %dma_start3A_182 : memref<1x125xi32, #tpu.memory_space<vmem>> -> memref<125xi32, #tpu.memory_space<vmem>>
        %dma_start3A_184 = arith.constant 0 : i32
        %dma_start3A_185 = arith.constant 0 : i32
        %dma_start3A_186 = tpu.memref_slice %arg2[%dma_start3A_184, %dma_start3A_185] : memref<10000x128xf32, #tpu.memory_space<hbm>> -> memref<10000x128xf32, #tpu.memory_space<hbm>>
        tpu.enqueue_indirect_dma source(%dma_start3A_186 : memref<10000x128xf32, #tpu.memory_space<hbm>>) target(%arg9 : memref<125x128xf32, #tpu.memory_space<vmem>>) offsets(%dma_start3A_183 : memref<125xi32, #tpu.memory_space<vmem>>) semaphore(%arg11 : memref<!tpu.dma_semaphore, #tpu.memory_space<semaphore_mem>>)
      } else {
      }
      %add3A_169 = arith.constant 1 : i32
      %add3A_170 = arith.addi %mul3A_151, %add3A_169 : i32
      %dma_wait3A_171 = arith.constant 0 : i32
      %dma_wait3A_172 = tpu.memref_slice %arg8[%add3A_170, %dma_wait3A_171] : memref<40x125xi32, #tpu.memory_space<vmem>> -> memref<1x125xi32, #tpu.memory_space<vmem>>
      %dma_wait3A_173 = tpu.memref_squeeze %dma_wait3A_172 : memref<1x125xi32, #tpu.memory_space<vmem>> -> memref<125xi32, #tpu.memory_space<vmem>>
      %dma_wait3A_174 = arith.constant 0 : i32
      %dma_wait3A_175 = arith.constant 0 : i32
      %dma_wait3A_176 = tpu.memref_slice %arg2[%dma_wait3A_174, %dma_wait3A_175] : memref<10000x128xf32, #tpu.memory_space<hbm>> -> memref<10000x128xf32, #tpu.memory_space<hbm>>
      tpu.wait_indirect_dma semaphore(%arg12 : memref<!tpu.dma_semaphore, #tpu.memory_space<semaphore_mem>>) src(%dma_wait3A_176 : memref<10000x128xf32, #tpu.memory_space<hbm>>) dst(%arg10 : memref<125x128xf32, #tpu.memory_space<vmem>>)
      %add3A_177 = arith.constant 1 : i32
      %add3A_178 = arith.addi %mul3A_151, %add3A_177 : i32
      "tpu.region"() ({
        %run_scoped3A_179 = tpu.sem_alloc : memref<!tpu.dma_semaphore, #tpu.memory_space<semaphore_mem>>
        %dma_start3A_180 = arith.constant 0 : i32
        %dma_start3A_181 = tpu.memref_slice %arg7[%add3A_178, %dma_start3A_180] : memref<40x125xi32, #tpu.memory_space<vmem>> -> memref<1x125xi32, #tpu.memory_space<vmem>>
        %dma_start3A_182 = tpu.memref_squeeze %dma_start3A_181 : memref<1x125xi32, #tpu.memory_space<vmem>> -> memref<125xi32, #tpu.memory_space<vmem>>
        %dma_start3A_183 = arith.constant 0 : i32
        %dma_start3A_184 = arith.constant 0 : i32
        %dma_start3A_185 = tpu.memref_slice %arg6[%dma_start3A_183, %dma_start3A_184] : memref<10240x128xf32, #tpu.memory_space<vmem_shared>> -> memref<10240x128xf32, #tpu.memory_space<vmem_shared>>
        tpu.enqueue_indirect_dma source(%arg10 : memref<125x128xf32, #tpu.memory_space<vmem>>) target(%dma_start3A_185 : memref<10240x128xf32, #tpu.memory_space<vmem_shared>>) offsets(%dma_start3A_182 : memref<125xi32, #tpu.memory_space<vmem>>) semaphore(%run_scoped3A_179 : memref<!tpu.dma_semaphore, #tpu.memory_space<semaphore_mem>>) {add = true}
        %dma_wait3A_186 = arith.constant 0 : i32
        %dma_wait3A_187 = tpu.memref_slice %arg7[%add3A_178, %dma_wait3A_186] : memref<40x125xi32, #tpu.memory_space<vmem>> -> memref<1x125xi32, #tpu.memory_space<vmem>>
        %dma_wait3A_188 = tpu.memref_squeeze %dma_wait3A_187 : memref<1x125xi32, #tpu.memory_space<vmem>> -> memref<125xi32, #tpu.memory_space<vmem>>
        %dma_wait3A_189 = arith.constant 0 : i32
        %dma_wait3A_190 = arith.constant 0 : i32
        %dma_wait3A_191 = tpu.memref_slice %arg6[%dma_wait3A_189, %dma_wait3A_190] : memref<10240x128xf32, #tpu.memory_space<vmem_shared>> -> memref<10240x128xf32, #tpu.memory_space<vmem_shared>>
        tpu.wait_indirect_dma semaphore(%run_scoped3A_179 : memref<!tpu.dma_semaphore, #tpu.memory_space<semaphore_mem>>) src(%arg10 : memref<125x128xf32, #tpu.memory_space<vmem>>) dst(%dma_wait3A_191 : memref<10240x128xf32, #tpu.memory_space<vmem_shared>>)
        tpu.yield
      }) : () -> ()
    }
    %scan3A_59 = arith.constant 20 : i32
    %barrier3A_60 = arith.constant 0 : index
    tpu.barrier barrier_id(%barrier3A_60)
    %mul3A_61 = arith.constant 640 : i32
    %mul3A_62 = arith.muli %arg1, %mul3A_61 : i32
    %add3A_63 = arith.constant 0 : i32
    %add3A_64 = arith.addi %mul3A_62, %add3A_63 : i32
    "tpu.region"() ({
      %run_scoped3A_149 = tpu.sem_alloc : memref<!tpu.dma_semaphore, #tpu.memory_space<semaphore_mem>>
      %dma_start3A_150 = arith.constant 0 : i32
      %dma_start3A_151 = arith.constant 0 : i32
      %dma_start3A_152 = tpu.memref_slice %arg9[%dma_start3A_150, %dma_start3A_151] : memref<125x128xf32, #tpu.memory_space<vmem>> -> memref<80x128xf32, #tpu.memory_space<vmem>>
      %dma_start3A_153 = arith.constant 0 : i32
      %dma_start3A_154 = tpu.memref_slice %arg6[%add3A_64, %dma_start3A_153] : memref<10240x128xf32, #tpu.memory_space<vmem_shared>> -> memref<80x128xf32, #tpu.memory_space<vmem_shared>>
      %dma_start3A_155 = arith.constant 0 : i32
      %dma_start3A_156 = arith.constant 0 : i32
      %dma_start3A_157 = tpu.memref_slice %arg9[%dma_start3A_155, %dma_start3A_156] : memref<125x128xf32, #tpu.memory_space<vmem>> -> memref<80x128xf32, #tpu.memory_space<vmem>>
      %dma_start3A_158 = arith.constant 0 : i32
      %dma_start3A_159 = tpu.memref_slice %arg6[%add3A_64, %dma_start3A_158] : memref<10240x128xf32, #tpu.memory_space<vmem_shared>> -> memref<80x128xf32, #tpu.memory_space<vmem_shared>>
      tpu.enqueue_dma source(%dma_start3A_159 : memref<80x128xf32, #tpu.memory_space<vmem_shared>>) target(%dma_start3A_157 : memref<80x128xf32, #tpu.memory_space<vmem>>) target_semaphore(%run_scoped3A_149 : memref<!tpu.dma_semaphore, #tpu.memory_space<semaphore_mem>>)
      %dma_wait3A = arith.constant 0 : i32
      %dma_wait3A_160 = arith.constant 0 : i32
      %dma_wait3A_161 = tpu.memref_slice %arg9[%dma_wait3A, %dma_wait3A_160] : memref<125x128xf32, #tpu.memory_space<vmem>> -> memref<80x128xf32, #tpu.memory_space<vmem>>
      %dma_wait3A_162 = arith.constant 0 : i32
      %dma_wait3A_163 = tpu.memref_slice %arg6[%add3A_64, %dma_wait3A_162] : memref<10240x128xf32, #tpu.memory_space<vmem_shared>> -> memref<80x128xf32, #tpu.memory_space<vmem_shared>>
      %dma_wait3A_164 = arith.constant 0 : i32
      %dma_wait3A_165 = arith.constant 0 : i32
      %dma_wait3A_166 = tpu.memref_slice %arg9[%dma_wait3A_164, %dma_wait3A_165] : memref<125x128xf32, #tpu.memory_space<vmem>> -> memref<80x128xf32, #tpu.memory_space<vmem>>
      %dma_wait3A_167 = arith.constant 0 : i32
      %dma_wait3A_168 = tpu.memref_slice %arg6[%add3A_64, %dma_wait3A_167] : memref<10240x128xf32, #tpu.memory_space<vmem_shared>> -> memref<80x128xf32, #tpu.memory_space<vmem_shared>>
      tpu.wait_dma2 semaphore(%run_scoped3A_149 : memref<!tpu.dma_semaphore, #tpu.memory_space<semaphore_mem>>) src(%dma_wait3A_168 : memref<80x128xf32, #tpu.memory_space<vmem_shared>>) dst(%dma_wait3A_166 : memref<80x128xf32, #tpu.memory_space<vmem>>)
      tpu.yield
    }) : () -> ()
    %mul3A_65 = arith.constant 10240 : i32
    %mul3A_66 = arith.muli %arg0, %mul3A_65 : i32
    %mul3A_67 = arith.constant 640 : i32
    %mul3A_68 = arith.muli %arg1, %mul3A_67 : i32
    %add3A_69 = arith.addi %mul3A_66, %mul3A_68 : i32
    %add3A_70 = arith.constant 0 : i32
    %add3A_71 = arith.addi %add3A_69, %add3A_70 : i32
    "tpu.region"() ({
      %run_scoped3A_149 = tpu.sem_alloc : memref<!tpu.dma_semaphore, #tpu.memory_space<semaphore_mem>>
      %dma_start3A_150 = arith.constant 0 : i32
      %dma_start3A_151 = arith.constant 0 : i32
      %dma_start3A_152 = tpu.memref_slice %arg9[%dma_start3A_150, %dma_start3A_151] : memref<125x128xf32, #tpu.memory_space<vmem>> -> memref<80x128xf32, #tpu.memory_space<vmem>>
      %dma_start3A_153 = arith.constant 0 : i32
      %dma_start3A_154 = tpu.memref_slice %arg5[%add3A_71, %dma_start3A_153] : memref<20480x128xf32, #tpu.memory_space<hbm>> -> memref<80x128xf32, #tpu.memory_space<hbm>>
      %dma_start3A_155 = arith.constant 0 : i32
      %dma_start3A_156 = tpu.memref_slice %arg5[%add3A_71, %dma_start3A_155] : memref<20480x128xf32, #tpu.memory_space<hbm>> -> memref<80x128xf32, #tpu.memory_space<hbm>>
      %dma_start3A_157 = arith.constant 0 : i32
      %dma_start3A_158 = arith.constant 0 : i32
      %dma_start3A_159 = tpu.memref_slice %arg9[%dma_start3A_157, %dma_start3A_158] : memref<125x128xf32, #tpu.memory_space<vmem>> -> memref<80x128xf32, #tpu.memory_space<vmem>>
      tpu.enqueue_dma source(%dma_start3A_159 : memref<80x128xf32, #tpu.memory_space<vmem>>) target(%dma_start3A_156 : memref<80x128xf32, #tpu.memory_space<hbm>>) target_semaphore(%run_scoped3A_149 : memref<!tpu.dma_semaphore, #tpu.memory_space<semaphore_mem>>)
      %dma_wait3A = arith.constant 0 : i32
      %dma_wait3A_160 = arith.constant 0 : i32
      %dma_wait3A_161 = tpu.memref_slice %arg9[%dma_wait3A, %dma_wait3A_160] : memref<125x128xf32, #tpu.memory_space<vmem>> -> memref<80x128xf32, #tpu.memory_space<vmem>>
      %dma_wait3A_162 = arith.constant 0 : i32
      %dma_wait3A_163 = tpu.memref_slice %arg5[%add3A_71, %dma_wait3A_162] : memref<20480x128xf32, #tpu.memory_space<hbm>> -> memref<80x128xf32, #tpu.memory_space<hbm>>
      %dma_wait3A_164 = arith.constant 0 : i32
      %dma_wait3A_165 = tpu.memref_slice %arg5[%add3A_71, %dma_wait3A_164] : memref<20480x128xf32, #tpu.memory_space<hbm>> -> memref<80x128xf32, #tpu.memory_space<hbm>>
      %dma_wait3A_166 = arith.constant 0 : i32
      %dma_wait3A_167 = arith.constant 0 : i32
      %dma_wait3A_168 = tpu.memref_slice %arg9[%dma_wait3A_166, %dma_wait3A_167] : memref<125x128xf32, #tpu.memory_space<vmem>> -> memref<80x128xf32, #tpu.memory_space<vmem>>
      tpu.wait_dma2 semaphore(%run_scoped3A_149 : memref<!tpu.dma_semaphore, #tpu.memory_space<semaphore_mem>>) src(%dma_wait3A_168 : memref<80x128xf32, #tpu.memory_space<vmem>>) dst(%dma_wait3A_165 : memref<80x128xf32, #tpu.memory_space<hbm>>)
      tpu.yield
    }) : () -> ()
    %mul3A_72 = arith.constant 640 : i32
    %mul3A_73 = arith.muli %arg1, %mul3A_72 : i32
    %add3A_74 = arith.constant 80 : i32
    %add3A_75 = arith.addi %mul3A_73, %add3A_74 : i32
    "tpu.region"() ({
      %run_scoped3A_149 = tpu.sem_alloc : memref<!tpu.dma_semaphore, #tpu.memory_space<semaphore_mem>>
      %dma_start3A_150 = arith.constant 0 : i32
      %dma_start3A_151 = arith.constant 0 : i32
      %dma_start3A_152 = tpu.memref_slice %arg9[%dma_start3A_150, %dma_start3A_151] : memref<125x128xf32, #tpu.memory_space<vmem>> -> memref<80x128xf32, #tpu.memory_space<vmem>>
      %dma_start3A_153 = arith.constant 0 : i32
      %dma_start3A_154 = tpu.memref_slice %arg6[%add3A_75, %dma_start3A_153] : memref<10240x128xf32, #tpu.memory_space<vmem_shared>> -> memref<80x128xf32, #tpu.memory_space<vmem_shared>>
      %dma_start3A_155 = arith.constant 0 : i32
      %dma_start3A_156 = arith.constant 0 : i32
      %dma_start3A_157 = tpu.memref_slice %arg9[%dma_start3A_155, %dma_start3A_156] : memref<125x128xf32, #tpu.memory_space<vmem>> -> memref<80x128xf32, #tpu.memory_space<vmem>>
      %dma_start3A_158 = arith.constant 0 : i32
      %dma_start3A_159 = tpu.memref_slice %arg6[%add3A_75, %dma_start3A_158] : memref<10240x128xf32, #tpu.memory_space<vmem_shared>> -> memref<80x128xf32, #tpu.memory_space<vmem_shared>>
      tpu.enqueue_dma source(%dma_start3A_159 : memref<80x128xf32, #tpu.memory_space<vmem_shared>>) target(%dma_start3A_157 : memref<80x128xf32, #tpu.memory_space<vmem>>) target_semaphore(%run_scoped3A_149 : memref<!tpu.dma_semaphore, #tpu.memory_space<semaphore_mem>>)
      %dma_wait3A = arith.constant 0 : i32
      %dma_wait3A_160 = arith.constant 0 : i32
      %dma_wait3A_161 = tpu.memref_slice %arg9[%dma_wait3A, %dma_wait3A_160] : memref<125x128xf32, #tpu.memory_space<vmem>> -> memref<80x128xf32, #tpu.memory_space<vmem>>
      %dma_wait3A_162 = arith.constant 0 : i32
      %dma_wait3A_163 = tpu.memref_slice %arg6[%add3A_75, %dma_wait3A_162] : memref<10240x128xf32, #tpu.memory_space<vmem_shared>> -> memref<80x128xf32, #tpu.memory_space<vmem_shared>>
      %dma_wait3A_164 = arith.constant 0 : i32
      %dma_wait3A_165 = arith.constant 0 : i32
      %dma_wait3A_166 = tpu.memref_slice %arg9[%dma_wait3A_164, %dma_wait3A_165] : memref<125x128xf32, #tpu.memory_space<vmem>> -> memref<80x128xf32, #tpu.memory_space<vmem>>
      %dma_wait3A_167 = arith.constant 0 : i32
      %dma_wait3A_168 = tpu.memref_slice %arg6[%add3A_75, %dma_wait3A_167] : memref<10240x128xf32, #tpu.memory_space<vmem_shared>> -> memref<80x128xf32, #tpu.memory_space<vmem_shared>>
      tpu.wait_dma2 semaphore(%run_scoped3A_149 : memref<!tpu.dma_semaphore, #tpu.memory_space<semaphore_mem>>) src(%dma_wait3A_168 : memref<80x128xf32, #tpu.memory_space<vmem_shared>>) dst(%dma_wait3A_166 : memref<80x128xf32, #tpu.memory_space<vmem>>)
      tpu.yield
    }) : () -> ()
    %mul3A_76 = arith.constant 10240 : i32
    %mul3A_77 = arith.muli %arg0, %mul3A_76 : i32
    %mul3A_78 = arith.constant 640 : i32
    %mul3A_79 = arith.muli %arg1, %mul3A_78 : i32
    %add3A_80 = arith.addi %mul3A_77, %mul3A_79 : i32
    %add3A_81 = arith.constant 80 : i32
    %add3A_82 = arith.addi %add3A_80, %add3A_81 : i32
    "tpu.region"() ({
      %run_scoped3A_149 = tpu.sem_alloc : memref<!tpu.dma_semaphore, #tpu.memory_space<semaphore_mem>>
      %dma_start3A_150 = arith.constant 0 : i32
      %dma_start3A_151 = arith.constant 0 : i32
      %dma_start3A_152 = tpu.memref_slice %arg9[%dma_start3A_150, %dma_start3A_151] : memref<125x128xf32, #tpu.memory_space<vmem>> -> memref<80x128xf32, #tpu.memory_space<vmem>>
      %dma_start3A_153 = arith.constant 0 : i32
      %dma_start3A_154 = tpu.memref_slice %arg5[%add3A_82, %dma_start3A_153] : memref<20480x128xf32, #tpu.memory_space<hbm>> -> memref<80x128xf32, #tpu.memory_space<hbm>>
      %dma_start3A_155 = arith.constant 0 : i32
      %dma_start3A_156 = tpu.memref_slice %arg5[%add3A_82, %dma_start3A_155] : memref<20480x128xf32, #tpu.memory_space<hbm>> -> memref<80x128xf32, #tpu.memory_space<hbm>>
      %dma_start3A_157 = arith.constant 0 : i32
      %dma_start3A_158 = arith.constant 0 : i32
      %dma_start3A_159 = tpu.memref_slice %arg9[%dma_start3A_157, %dma_start3A_158] : memref<125x128xf32, #tpu.memory_space<vmem>> -> memref<80x128xf32, #tpu.memory_space<vmem>>
      tpu.enqueue_dma source(%dma_start3A_159 : memref<80x128xf32, #tpu.memory_space<vmem>>) target(%dma_start3A_156 : memref<80x128xf32, #tpu.memory_space<hbm>>) target_semaphore(%run_scoped3A_149 : memref<!tpu.dma_semaphore, #tpu.memory_space<semaphore_mem>>)
      %dma_wait3A = arith.constant 0 : i32
      %dma_wait3A_160 = arith.constant 0 : i32
      %dma_wait3A_161 = tpu.memref_slice %arg9[%dma_wait3A, %dma_wait3A_160] : memref<125x128xf32, #tpu.memory_space<vmem>> -> memref<80x128xf32, #tpu.memory_space<vmem>>
      %dma_wait3A_162 = arith.constant 0 : i32
      %dma_wait3A_163 = tpu.memref_slice %arg5[%add3A_82, %dma_wait3A_162] : memref<20480x128xf32, #tpu.memory_space<hbm>> -> memref<80x128xf32, #tpu.memory_space<hbm>>
      %dma_wait3A_164 = arith.constant 0 : i32
      %dma_wait3A_165 = tpu.memref_slice %arg5[%add3A_82, %dma_wait3A_164] : memref<20480x128xf32, #tpu.memory_space<hbm>> -> memref<80x128xf32, #tpu.memory_space<hbm>>
      %dma_wait3A_166 = arith.constant 0 : i32
      %dma_wait3A_167 = arith.constant 0 : i32
      %dma_wait3A_168 = tpu.memref_slice %arg9[%dma_wait3A_166, %dma_wait3A_167] : memref<125x128xf32, #tpu.memory_space<vmem>> -> memref<80x128xf32, #tpu.memory_space<vmem>>
      tpu.wait_dma2 semaphore(%run_scoped3A_149 : memref<!tpu.dma_semaphore, #tpu.memory_space<semaphore_mem>>) src(%dma_wait3A_168 : memref<80x128xf32, #tpu.memory_space<vmem>>) dst(%dma_wait3A_165 : memref<80x128xf32, #tpu.memory_space<hbm>>)
      tpu.yield
    }) : () -> ()
    %mul3A_83 = arith.constant 640 : i32
    %mul3A_84 = arith.muli %arg1, %mul3A_83 : i32
    %add3A_85 = arith.constant 160 : i32
    %add3A_86 = arith.addi %mul3A_84, %add3A_85 : i32
    "tpu.region"() ({
      %run_scoped3A_149 = tpu.sem_alloc : memref<!tpu.dma_semaphore, #tpu.memory_space<semaphore_mem>>
      %dma_start3A_150 = arith.constant 0 : i32
      %dma_start3A_151 = arith.constant 0 : i32
      %dma_start3A_152 = tpu.memref_slice %arg9[%dma_start3A_150, %dma_start3A_151] : memref<125x128xf32, #tpu.memory_space<vmem>> -> memref<80x128xf32, #tpu.memory_space<vmem>>
      %dma_start3A_153 = arith.constant 0 : i32
      %dma_start3A_154 = tpu.memref_slice %arg6[%add3A_86, %dma_start3A_153] : memref<10240x128xf32, #tpu.memory_space<vmem_shared>> -> memref<80x128xf32, #tpu.memory_space<vmem_shared>>
      %dma_start3A_155 = arith.constant 0 : i32
      %dma_start3A_156 = arith.constant 0 : i32
      %dma_start3A_157 = tpu.memref_slice %arg9[%dma_start3A_155, %dma_start3A_156] : memref<125x128xf32, #tpu.memory_space<vmem>> -> memref<80x128xf32, #tpu.memory_space<vmem>>
      %dma_start3A_158 = arith.constant 0 : i32
      %dma_start3A_159 = tpu.memref_slice %arg6[%add3A_86, %dma_start3A_158] : memref<10240x128xf32, #tpu.memory_space<vmem_shared>> -> memref<80x128xf32, #tpu.memory_space<vmem_shared>>
      tpu.enqueue_dma source(%dma_start3A_159 : memref<80x128xf32, #tpu.memory_space<vmem_shared>>) target(%dma_start3A_157 : memref<80x128xf32, #tpu.memory_space<vmem>>) target_semaphore(%run_scoped3A_149 : memref<!tpu.dma_semaphore, #tpu.memory_space<semaphore_mem>>)
      %dma_wait3A = arith.constant 0 : i32
      %dma_wait3A_160 = arith.constant 0 : i32
      %dma_wait3A_161 = tpu.memref_slice %arg9[%dma_wait3A, %dma_wait3A_160] : memref<125x128xf32, #tpu.memory_space<vmem>> -> memref<80x128xf32, #tpu.memory_space<vmem>>
      %dma_wait3A_162 = arith.constant 0 : i32
      %dma_wait3A_163 = tpu.memref_slice %arg6[%add3A_86, %dma_wait3A_162] : memref<10240x128xf32, #tpu.memory_space<vmem_shared>> -> memref<80x128xf32, #tpu.memory_space<vmem_shared>>
      %dma_wait3A_164 = arith.constant 0 : i32
      %dma_wait3A_165 = arith.constant 0 : i32
      %dma_wait3A_166 = tpu.memref_slice %arg9[%dma_wait3A_164, %dma_wait3A_165] : memref<125x128xf32, #tpu.memory_space<vmem>> -> memref<80x128xf32, #tpu.memory_space<vmem>>
      %dma_wait3A_167 = arith.constant 0 : i32
      %dma_wait3A_168 = tpu.memref_slice %arg6[%add3A_86, %dma_wait3A_167] : memref<10240x128xf32, #tpu.memory_space<vmem_shared>> -> memref<80x128xf32, #tpu.memory_space<vmem_shared>>
      tpu.wait_dma2 semaphore(%run_scoped3A_149 : memref<!tpu.dma_semaphore, #tpu.memory_space<semaphore_mem>>) src(%dma_wait3A_168 : memref<80x128xf32, #tpu.memory_space<vmem_shared>>) dst(%dma_wait3A_166 : memref<80x128xf32, #tpu.memory_space<vmem>>)
      tpu.yield
    }) : () -> ()
    %mul3A_87 = arith.constant 10240 : i32
    %mul3A_88 = arith.muli %arg0, %mul3A_87 : i32
    %mul3A_89 = arith.constant 640 : i32
    %mul3A_90 = arith.muli %arg1, %mul3A_89 : i32
    %add3A_91 = arith.addi %mul3A_88, %mul3A_90 : i32
    %add3A_92 = arith.constant 160 : i32
    %add3A_93 = arith.addi %add3A_91, %add3A_92 : i32
    "tpu.region"() ({
      %run_scoped3A_149 = tpu.sem_alloc : memref<!tpu.dma_semaphore, #tpu.memory_space<semaphore_mem>>
      %dma_start3A_150 = arith.constant 0 : i32
      %dma_start3A_151 = arith.constant 0 : i32
      %dma_start3A_152 = tpu.memref_slice %arg9[%dma_start3A_150, %dma_start3A_151] : memref<125x128xf32, #tpu.memory_space<vmem>> -> memref<80x128xf32, #tpu.memory_space<vmem>>
      %dma_start3A_153 = arith.constant 0 : i32
      %dma_start3A_154 = tpu.memref_slice %arg5[%add3A_93, %dma_start3A_153] : memref<20480x128xf32, #tpu.memory_space<hbm>> -> memref<80x128xf32, #tpu.memory_space<hbm>>
      %dma_start3A_155 = arith.constant 0 : i32
      %dma_start3A_156 = tpu.memref_slice %arg5[%add3A_93, %dma_start3A_155] : memref<20480x128xf32, #tpu.memory_space<hbm>> -> memref<80x128xf32, #tpu.memory_space<hbm>>
      %dma_start3A_157 = arith.constant 0 : i32
      %dma_start3A_158 = arith.constant 0 : i32
      %dma_start3A_159 = tpu.memref_slice %arg9[%dma_start3A_157, %dma_start3A_158] : memref<125x128xf32, #tpu.memory_space<vmem>> -> memref<80x128xf32, #tpu.memory_space<vmem>>
      tpu.enqueue_dma source(%dma_start3A_159 : memref<80x128xf32, #tpu.memory_space<vmem>>) target(%dma_start3A_156 : memref<80x128xf32, #tpu.memory_space<hbm>>) target_semaphore(%run_scoped3A_149 : memref<!tpu.dma_semaphore, #tpu.memory_space<semaphore_mem>>)
      %dma_wait3A = arith.constant 0 : i32
      %dma_wait3A_160 = arith.constant 0 : i32
      %dma_wait3A_161 = tpu.memref_slice %arg9[%dma_wait3A, %dma_wait3A_160] : memref<125x128xf32, #tpu.memory_space<vmem>> -> memref<80x128xf32, #tpu.memory_space<vmem>>
      %dma_wait3A_162 = arith.constant 0 : i32
      %dma_wait3A_163 = tpu.memref_slice %arg5[%add3A_93, %dma_wait3A_162] : memref<20480x128xf32, #tpu.memory_space<hbm>> -> memref<80x128xf32, #tpu.memory_space<hbm>>
      %dma_wait3A_164 = arith.constant 0 : i32
      %dma_wait3A_165 = tpu.memref_slice %arg5[%add3A_93, %dma_wait3A_164] : memref<20480x128xf32, #tpu.memory_space<hbm>> -> memref<80x128xf32, #tpu.memory_space<hbm>>
      %dma_wait3A_166 = arith.constant 0 : i32
      %dma_wait3A_167 = arith.constant 0 : i32
      %dma_wait3A_168 = tpu.memref_slice %arg9[%dma_wait3A_166, %dma_wait3A_167] : memref<125x128xf32, #tpu.memory_space<vmem>> -> memref<80x128xf32, #tpu.memory_space<vmem>>
      tpu.wait_dma2 semaphore(%run_scoped3A_149 : memref<!tpu.dma_semaphore, #tpu.memory_space<semaphore_mem>>) src(%dma_wait3A_168 : memref<80x128xf32, #tpu.memory_space<vmem>>) dst(%dma_wait3A_165 : memref<80x128xf32, #tpu.memory_space<hbm>>)
      tpu.yield
    }) : () -> ()
    %mul3A_94 = arith.constant 640 : i32
    %mul3A_95 = arith.muli %arg1, %mul3A_94 : i32
    %add3A_96 = arith.constant 240 : i32
    %add3A_97 = arith.addi %mul3A_95, %add3A_96 : i32
    "tpu.region"() ({
      %run_scoped3A_149 = tpu.sem_alloc : memref<!tpu.dma_semaphore, #tpu.memory_space<semaphore_mem>>
      %dma_start3A_150 = arith.constant 0 : i32
      %dma_start3A_151 = arith.constant 0 : i32
      %dma_start3A_152 = tpu.memref_slice %arg9[%dma_start3A_150, %dma_start3A_151] : memref<125x128xf32, #tpu.memory_space<vmem>> -> memref<80x128xf32, #tpu.memory_space<vmem>>
      %dma_start3A_153 = arith.constant 0 : i32
      %dma_start3A_154 = tpu.memref_slice %arg6[%add3A_97, %dma_start3A_153] : memref<10240x128xf32, #tpu.memory_space<vmem_shared>> -> memref<80x128xf32, #tpu.memory_space<vmem_shared>>
      %dma_start3A_155 = arith.constant 0 : i32
      %dma_start3A_156 = arith.constant 0 : i32
      %dma_start3A_157 = tpu.memref_slice %arg9[%dma_start3A_155, %dma_start3A_156] : memref<125x128xf32, #tpu.memory_space<vmem>> -> memref<80x128xf32, #tpu.memory_space<vmem>>
      %dma_start3A_158 = arith.constant 0 : i32
      %dma_start3A_159 = tpu.memref_slice %arg6[%add3A_97, %dma_start3A_158] : memref<10240x128xf32, #tpu.memory_space<vmem_shared>> -> memref<80x128xf32, #tpu.memory_space<vmem_shared>>
      tpu.enqueue_dma source(%dma_start3A_159 : memref<80x128xf32, #tpu.memory_space<vmem_shared>>) target(%dma_start3A_157 : memref<80x128xf32, #tpu.memory_space<vmem>>) target_semaphore(%run_scoped3A_149 : memref<!tpu.dma_semaphore, #tpu.memory_space<semaphore_mem>>)
      %dma_wait3A = arith.constant 0 : i32
      %dma_wait3A_160 = arith.constant 0 : i32
      %dma_wait3A_161 = tpu.memref_slice %arg9[%dma_wait3A, %dma_wait3A_160] : memref<125x128xf32, #tpu.memory_space<vmem>> -> memref<80x128xf32, #tpu.memory_space<vmem>>
      %dma_wait3A_162 = arith.constant 0 : i32
      %dma_wait3A_163 = tpu.memref_slice %arg6[%add3A_97, %dma_wait3A_162] : memref<10240x128xf32, #tpu.memory_space<vmem_shared>> -> memref<80x128xf32, #tpu.memory_space<vmem_shared>>
      %dma_wait3A_164 = arith.constant 0 : i32
      %dma_wait3A_165 = arith.constant 0 : i32
      %dma_wait3A_166 = tpu.memref_slice %arg9[%dma_wait3A_164, %dma_wait3A_165] : memref<125x128xf32, #tpu.memory_space<vmem>> -> memref<80x128xf32, #tpu.memory_space<vmem>>
      %dma_wait3A_167 = arith.constant 0 : i32
      %dma_wait3A_168 = tpu.memref_slice %arg6[%add3A_97, %dma_wait3A_167] : memref<10240x128xf32, #tpu.memory_space<vmem_shared>> -> memref<80x128xf32, #tpu.memory_space<vmem_shared>>
      tpu.wait_dma2 semaphore(%run_scoped3A_149 : memref<!tpu.dma_semaphore, #tpu.memory_space<semaphore_mem>>) src(%dma_wait3A_168 : memref<80x128xf32, #tpu.memory_space<vmem_shared>>) dst(%dma_wait3A_166 : memref<80x128xf32, #tpu.memory_space<vmem>>)
      tpu.yield
    }) : () -> ()
    %mul3A_98 = arith.constant 10240 : i32
    %mul3A_99 = arith.muli %arg0, %mul3A_98 : i32
    %mul3A_100 = arith.constant 640 : i32
    %mul3A_101 = arith.muli %arg1, %mul3A_100 : i32
    %add3A_102 = arith.addi %mul3A_99, %mul3A_101 : i32
    %add3A_103 = arith.constant 240 : i32
    %add3A_104 = arith.addi %add3A_102, %add3A_103 : i32
    "tpu.region"() ({
      %run_scoped3A_149 = tpu.sem_alloc : memref<!tpu.dma_semaphore, #tpu.memory_space<semaphore_mem>>
      %dma_start3A_150 = arith.constant 0 : i32
      %dma_start3A_151 = arith.constant 0 : i32
      %dma_start3A_152 = tpu.memref_slice %arg9[%dma_start3A_150, %dma_start3A_151] : memref<125x128xf32, #tpu.memory_space<vmem>> -> memref<80x128xf32, #tpu.memory_space<vmem>>
      %dma_start3A_153 = arith.constant 0 : i32
      %dma_start3A_154 = tpu.memref_slice %arg5[%add3A_104, %dma_start3A_153] : memref<20480x128xf32, #tpu.memory_space<hbm>> -> memref<80x128xf32, #tpu.memory_space<hbm>>
      %dma_start3A_155 = arith.constant 0 : i32
      %dma_start3A_156 = tpu.memref_slice %arg5[%add3A_104, %dma_start3A_155] : memref<20480x128xf32, #tpu.memory_space<hbm>> -> memref<80x128xf32, #tpu.memory_space<hbm>>
      %dma_start3A_157 = arith.constant 0 : i32
      %dma_start3A_158 = arith.constant 0 : i32
      %dma_start3A_159 = tpu.memref_slice %arg9[%dma_start3A_157, %dma_start3A_158] : memref<125x128xf32, #tpu.memory_space<vmem>> -> memref<80x128xf32, #tpu.memory_space<vmem>>
      tpu.enqueue_dma source(%dma_start3A_159 : memref<80x128xf32, #tpu.memory_space<vmem>>) target(%dma_start3A_156 : memref<80x128xf32, #tpu.memory_space<hbm>>) target_semaphore(%run_scoped3A_149 : memref<!tpu.dma_semaphore, #tpu.memory_space<semaphore_mem>>)
      %dma_wait3A = arith.constant 0 : i32
      %dma_wait3A_160 = arith.constant 0 : i32
      %dma_wait3A_161 = tpu.memref_slice %arg9[%dma_wait3A, %dma_wait3A_160] : memref<125x128xf32, #tpu.memory_space<vmem>> -> memref<80x128xf32, #tpu.memory_space<vmem>>
      %dma_wait3A_162 = arith.constant 0 : i32
      %dma_wait3A_163 = tpu.memref_slice %arg5[%add3A_104, %dma_wait3A_162] : memref<20480x128xf32, #tpu.memory_space<hbm>> -> memref<80x128xf32, #tpu.memory_space<hbm>>
      %dma_wait3A_164 = arith.constant 0 : i32
      %dma_wait3A_165 = tpu.memref_slice %arg5[%add3A_104, %dma_wait3A_164] : memref<20480x128xf32, #tpu.memory_space<hbm>> -> memref<80x128xf32, #tpu.memory_space<hbm>>
      %dma_wait3A_166 = arith.constant 0 : i32
      %dma_wait3A_167 = arith.constant 0 : i32
      %dma_wait3A_168 = tpu.memref_slice %arg9[%dma_wait3A_166, %dma_wait3A_167] : memref<125x128xf32, #tpu.memory_space<vmem>> -> memref<80x128xf32, #tpu.memory_space<vmem>>
      tpu.wait_dma2 semaphore(%run_scoped3A_149 : memref<!tpu.dma_semaphore, #tpu.memory_space<semaphore_mem>>) src(%dma_wait3A_168 : memref<80x128xf32, #tpu.memory_space<vmem>>) dst(%dma_wait3A_165 : memref<80x128xf32, #tpu.memory_space<hbm>>)
      tpu.yield
    }) : () -> ()
    %mul3A_105 = arith.constant 640 : i32
    %mul3A_106 = arith.muli %arg1, %mul3A_105 : i32
    %add3A_107 = arith.constant 320 : i32
    %add3A_108 = arith.addi %mul3A_106, %add3A_107 : i32
    "tpu.region"() ({
      %run_scoped3A_149 = tpu.sem_alloc : memref<!tpu.dma_semaphore, #tpu.memory_space<semaphore_mem>>
      %dma_start3A_150 = arith.constant 0 : i32
      %dma_start3A_151 = arith.constant 0 : i32
      %dma_start3A_152 = tpu.memref_slice %arg9[%dma_start3A_150, %dma_start3A_151] : memref<125x128xf32, #tpu.memory_space<vmem>> -> memref<80x128xf32, #tpu.memory_space<vmem>>
      %dma_start3A_153 = arith.constant 0 : i32
      %dma_start3A_154 = tpu.memref_slice %arg6[%add3A_108, %dma_start3A_153] : memref<10240x128xf32, #tpu.memory_space<vmem_shared>> -> memref<80x128xf32, #tpu.memory_space<vmem_shared>>
      %dma_start3A_155 = arith.constant 0 : i32
      %dma_start3A_156 = arith.constant 0 : i32
      %dma_start3A_157 = tpu.memref_slice %arg9[%dma_start3A_155, %dma_start3A_156] : memref<125x128xf32, #tpu.memory_space<vmem>> -> memref<80x128xf32, #tpu.memory_space<vmem>>
      %dma_start3A_158 = arith.constant 0 : i32
      %dma_start3A_159 = tpu.memref_slice %arg6[%add3A_108, %dma_start3A_158] : memref<10240x128xf32, #tpu.memory_space<vmem_shared>> -> memref<80x128xf32, #tpu.memory_space<vmem_shared>>
      tpu.enqueue_dma source(%dma_start3A_159 : memref<80x128xf32, #tpu.memory_space<vmem_shared>>) target(%dma_start3A_157 : memref<80x128xf32, #tpu.memory_space<vmem>>) target_semaphore(%run_scoped3A_149 : memref<!tpu.dma_semaphore, #tpu.memory_space<semaphore_mem>>)
      %dma_wait3A = arith.constant 0 : i32
      %dma_wait3A_160 = arith.constant 0 : i32
      %dma_wait3A_161 = tpu.memref_slice %arg9[%dma_wait3A, %dma_wait3A_160] : memref<125x128xf32, #tpu.memory_space<vmem>> -> memref<80x128xf32, #tpu.memory_space<vmem>>
      %dma_wait3A_162 = arith.constant 0 : i32
      %dma_wait3A_163 = tpu.memref_slice %arg6[%add3A_108, %dma_wait3A_162] : memref<10240x128xf32, #tpu.memory_space<vmem_shared>> -> memref<80x128xf32, #tpu.memory_space<vmem_shared>>
      %dma_wait3A_164 = arith.constant 0 : i32
      %dma_wait3A_165 = arith.constant 0 : i32
      %dma_wait3A_166 = tpu.memref_slice %arg9[%dma_wait3A_164, %dma_wait3A_165] : memref<125x128xf32, #tpu.memory_space<vmem>> -> memref<80x128xf32, #tpu.memory_space<vmem>>
      %dma_wait3A_167 = arith.constant 0 : i32
      %dma_wait3A_168 = tpu.memref_slice %arg6[%add3A_108, %dma_wait3A_167] : memref<10240x128xf32, #tpu.memory_space<vmem_shared>> -> memref<80x128xf32, #tpu.memory_space<vmem_shared>>
      tpu.wait_dma2 semaphore(%run_scoped3A_149 : memref<!tpu.dma_semaphore, #tpu.memory_space<semaphore_mem>>) src(%dma_wait3A_168 : memref<80x128xf32, #tpu.memory_space<vmem_shared>>) dst(%dma_wait3A_166 : memref<80x128xf32, #tpu.memory_space<vmem>>)
      tpu.yield
    }) : () -> ()
    %mul3A_109 = arith.constant 10240 : i32
    %mul3A_110 = arith.muli %arg0, %mul3A_109 : i32
    %mul3A_111 = arith.constant 640 : i32
    %mul3A_112 = arith.muli %arg1, %mul3A_111 : i32
    %add3A_113 = arith.addi %mul3A_110, %mul3A_112 : i32
    %add3A_114 = arith.constant 320 : i32
    %add3A_115 = arith.addi %add3A_113, %add3A_114 : i32
    "tpu.region"() ({
      %run_scoped3A_149 = tpu.sem_alloc : memref<!tpu.dma_semaphore, #tpu.memory_space<semaphore_mem>>
      %dma_start3A_150 = arith.constant 0 : i32
      %dma_start3A_151 = arith.constant 0 : i32
      %dma_start3A_152 = tpu.memref_slice %arg9[%dma_start3A_150, %dma_start3A_151] : memref<125x128xf32, #tpu.memory_space<vmem>> -> memref<80x128xf32, #tpu.memory_space<vmem>>
      %dma_start3A_153 = arith.constant 0 : i32
      %dma_start3A_154 = tpu.memref_slice %arg5[%add3A_115, %dma_start3A_153] : memref<20480x128xf32, #tpu.memory_space<hbm>> -> memref<80x128xf32, #tpu.memory_space<hbm>>
      %dma_start3A_155 = arith.constant 0 : i32
      %dma_start3A_156 = tpu.memref_slice %arg5[%add3A_115, %dma_start3A_155] : memref<20480x128xf32, #tpu.memory_space<hbm>> -> memref<80x128xf32, #tpu.memory_space<hbm>>
      %dma_start3A_157 = arith.constant 0 : i32
      %dma_start3A_158 = arith.constant 0 : i32
      %dma_start3A_159 = tpu.memref_slice %arg9[%dma_start3A_157, %dma_start3A_158] : memref<125x128xf32, #tpu.memory_space<vmem>> -> memref<80x128xf32, #tpu.memory_space<vmem>>
      tpu.enqueue_dma source(%dma_start3A_159 : memref<80x128xf32, #tpu.memory_space<vmem>>) target(%dma_start3A_156 : memref<80x128xf32, #tpu.memory_space<hbm>>) target_semaphore(%run_scoped3A_149 : memref<!tpu.dma_semaphore, #tpu.memory_space<semaphore_mem>>)
      %dma_wait3A = arith.constant 0 : i32
      %dma_wait3A_160 = arith.constant 0 : i32
      %dma_wait3A_161 = tpu.memref_slice %arg9[%dma_wait3A, %dma_wait3A_160] : memref<125x128xf32, #tpu.memory_space<vmem>> -> memref<80x128xf32, #tpu.memory_space<vmem>>
      %dma_wait3A_162 = arith.constant 0 : i32
      %dma_wait3A_163 = tpu.memref_slice %arg5[%add3A_115, %dma_wait3A_162] : memref<20480x128xf32, #tpu.memory_space<hbm>> -> memref<80x128xf32, #tpu.memory_space<hbm>>
      %dma_wait3A_164 = arith.constant 0 : i32
      %dma_wait3A_165 = tpu.memref_slice %arg5[%add3A_115, %dma_wait3A_164] : memref<20480x128xf32, #tpu.memory_space<hbm>> -> memref<80x128xf32, #tpu.memory_space<hbm>>
      %dma_wait3A_166 = arith.constant 0 : i32
      %dma_wait3A_167 = arith.constant 0 : i32
      %dma_wait3A_168 = tpu.memref_slice %arg9[%dma_wait3A_166, %dma_wait3A_167] : memref<125x128xf32, #tpu.memory_space<vmem>> -> memref<80x128xf32, #tpu.memory_space<vmem>>
      tpu.wait_dma2 semaphore(%run_scoped3A_149 : memref<!tpu.dma_semaphore, #tpu.memory_space<semaphore_mem>>) src(%dma_wait3A_168 : memref<80x128xf32, #tpu.memory_space<vmem>>) dst(%dma_wait3A_165 : memref<80x128xf32, #tpu.memory_space<hbm>>)
      tpu.yield
    }) : () -> ()
    %mul3A_116 = arith.constant 640 : i32
    %mul3A_117 = arith.muli %arg1, %mul3A_116 : i32
    %add3A_118 = arith.constant 400 : i32
    %add3A_119 = arith.addi %mul3A_117, %add3A_118 : i32
    "tpu.region"() ({
      %run_scoped3A_149 = tpu.sem_alloc : memref<!tpu.dma_semaphore, #tpu.memory_space<semaphore_mem>>
      %dma_start3A_150 = arith.constant 0 : i32
      %dma_start3A_151 = arith.constant 0 : i32
      %dma_start3A_152 = tpu.memref_slice %arg9[%dma_start3A_150, %dma_start3A_151] : memref<125x128xf32, #tpu.memory_space<vmem>> -> memref<80x128xf32, #tpu.memory_space<vmem>>
      %dma_start3A_153 = arith.constant 0 : i32
      %dma_start3A_154 = tpu.memref_slice %arg6[%add3A_119, %dma_start3A_153] : memref<10240x128xf32, #tpu.memory_space<vmem_shared>> -> memref<80x128xf32, #tpu.memory_space<vmem_shared>>
      %dma_start3A_155 = arith.constant 0 : i32
      %dma_start3A_156 = arith.constant 0 : i32
      %dma_start3A_157 = tpu.memref_slice %arg9[%dma_start3A_155, %dma_start3A_156] : memref<125x128xf32, #tpu.memory_space<vmem>> -> memref<80x128xf32, #tpu.memory_space<vmem>>
      %dma_start3A_158 = arith.constant 0 : i32
      %dma_start3A_159 = tpu.memref_slice %arg6[%add3A_119, %dma_start3A_158] : memref<10240x128xf32, #tpu.memory_space<vmem_shared>> -> memref<80x128xf32, #tpu.memory_space<vmem_shared>>
      tpu.enqueue_dma source(%dma_start3A_159 : memref<80x128xf32, #tpu.memory_space<vmem_shared>>) target(%dma_start3A_157 : memref<80x128xf32, #tpu.memory_space<vmem>>) target_semaphore(%run_scoped3A_149 : memref<!tpu.dma_semaphore, #tpu.memory_space<semaphore_mem>>)
      %dma_wait3A = arith.constant 0 : i32
      %dma_wait3A_160 = arith.constant 0 : i32
      %dma_wait3A_161 = tpu.memref_slice %arg9[%dma_wait3A, %dma_wait3A_160] : memref<125x128xf32, #tpu.memory_space<vmem>> -> memref<80x128xf32, #tpu.memory_space<vmem>>
      %dma_wait3A_162 = arith.constant 0 : i32
      %dma_wait3A_163 = tpu.memref_slice %arg6[%add3A_119, %dma_wait3A_162] : memref<10240x128xf32, #tpu.memory_space<vmem_shared>> -> memref<80x128xf32, #tpu.memory_space<vmem_shared>>
      %dma_wait3A_164 = arith.constant 0 : i32
      %dma_wait3A_165 = arith.constant 0 : i32
      %dma_wait3A_166 = tpu.memref_slice %arg9[%dma_wait3A_164, %dma_wait3A_165] : memref<125x128xf32, #tpu.memory_space<vmem>> -> memref<80x128xf32, #tpu.memory_space<vmem>>
      %dma_wait3A_167 = arith.constant 0 : i32
      %dma_wait3A_168 = tpu.memref_slice %arg6[%add3A_119, %dma_wait3A_167] : memref<10240x128xf32, #tpu.memory_space<vmem_shared>> -> memref<80x128xf32, #tpu.memory_space<vmem_shared>>
      tpu.wait_dma2 semaphore(%run_scoped3A_149 : memref<!tpu.dma_semaphore, #tpu.memory_space<semaphore_mem>>) src(%dma_wait3A_168 : memref<80x128xf32, #tpu.memory_space<vmem_shared>>) dst(%dma_wait3A_166 : memref<80x128xf32, #tpu.memory_space<vmem>>)
      tpu.yield
    }) : () -> ()
    %mul3A_120 = arith.constant 10240 : i32
    %mul3A_121 = arith.muli %arg0, %mul3A_120 : i32
    %mul3A_122 = arith.constant 640 : i32
    %mul3A_123 = arith.muli %arg1, %mul3A_122 : i32
    %add3A_124 = arith.addi %mul3A_121, %mul3A_123 : i32
    %add3A_125 = arith.constant 400 : i32
    %add3A_126 = arith.addi %add3A_124, %add3A_125 : i32
    "tpu.region"() ({
      %run_scoped3A_149 = tpu.sem_alloc : memref<!tpu.dma_semaphore, #tpu.memory_space<semaphore_mem>>
      %dma_start3A_150 = arith.constant 0 : i32
      %dma_start3A_151 = arith.constant 0 : i32
      %dma_start3A_152 = tpu.memref_slice %arg9[%dma_start3A_150, %dma_start3A_151] : memref<125x128xf32, #tpu.memory_space<vmem>> -> memref<80x128xf32, #tpu.memory_space<vmem>>
      %dma_start3A_153 = arith.constant 0 : i32
      %dma_start3A_154 = tpu.memref_slice %arg5[%add3A_126, %dma_start3A_153] : memref<20480x128xf32, #tpu.memory_space<hbm>> -> memref<80x128xf32, #tpu.memory_space<hbm>>
      %dma_start3A_155 = arith.constant 0 : i32
      %dma_start3A_156 = tpu.memref_slice %arg5[%add3A_126, %dma_start3A_155] : memref<20480x128xf32, #tpu.memory_space<hbm>> -> memref<80x128xf32, #tpu.memory_space<hbm>>
      %dma_start3A_157 = arith.constant 0 : i32
      %dma_start3A_158 = arith.constant 0 : i32
      %dma_start3A_159 = tpu.memref_slice %arg9[%dma_start3A_157, %dma_start3A_158] : memref<125x128xf32, #tpu.memory_space<vmem>> -> memref<80x128xf32, #tpu.memory_space<vmem>>
      tpu.enqueue_dma source(%dma_start3A_159 : memref<80x128xf32, #tpu.memory_space<vmem>>) target(%dma_start3A_156 : memref<80x128xf32, #tpu.memory_space<hbm>>) target_semaphore(%run_scoped3A_149 : memref<!tpu.dma_semaphore, #tpu.memory_space<semaphore_mem>>)
      %dma_wait3A = arith.constant 0 : i32
      %dma_wait3A_160 = arith.constant 0 : i32
      %dma_wait3A_161 = tpu.memref_slice %arg9[%dma_wait3A, %dma_wait3A_160] : memref<125x128xf32, #tpu.memory_space<vmem>> -> memref<80x128xf32, #tpu.memory_space<vmem>>
      %dma_wait3A_162 = arith.constant 0 : i32
      %dma_wait3A_163 = tpu.memref_slice %arg5[%add3A_126, %dma_wait3A_162] : memref<20480x128xf32, #tpu.memory_space<hbm>> -> memref<80x128xf32, #tpu.memory_space<hbm>>
      %dma_wait3A_164 = arith.constant 0 : i32
      %dma_wait3A_165 = tpu.memref_slice %arg5[%add3A_126, %dma_wait3A_164] : memref<20480x128xf32, #tpu.memory_space<hbm>> -> memref<80x128xf32, #tpu.memory_space<hbm>>
      %dma_wait3A_166 = arith.constant 0 : i32
      %dma_wait3A_167 = arith.constant 0 : i32
      %dma_wait3A_168 = tpu.memref_slice %arg9[%dma_wait3A_166, %dma_wait3A_167] : memref<125x128xf32, #tpu.memory_space<vmem>> -> memref<80x128xf32, #tpu.memory_space<vmem>>
      tpu.wait_dma2 semaphore(%run_scoped3A_149 : memref<!tpu.dma_semaphore, #tpu.memory_space<semaphore_mem>>) src(%dma_wait3A_168 : memref<80x128xf32, #tpu.memory_space<vmem>>) dst(%dma_wait3A_165 : memref<80x128xf32, #tpu.memory_space<hbm>>)
      tpu.yield
    }) : () -> ()
    %mul3A_127 = arith.constant 640 : i32
    %mul3A_128 = arith.muli %arg1, %mul3A_127 : i32
    %add3A_129 = arith.constant 480 : i32
    %add3A_130 = arith.addi %mul3A_128, %add3A_129 : i32
    "tpu.region"() ({
      %run_scoped3A_149 = tpu.sem_alloc : memref<!tpu.dma_semaphore, #tpu.memory_space<semaphore_mem>>
      %dma_start3A_150 = arith.constant 0 : i32
      %dma_start3A_151 = arith.constant 0 : i32
      %dma_start3A_152 = tpu.memref_slice %arg9[%dma_start3A_150, %dma_start3A_151] : memref<125x128xf32, #tpu.memory_space<vmem>> -> memref<80x128xf32, #tpu.memory_space<vmem>>
      %dma_start3A_153 = arith.constant 0 : i32
      %dma_start3A_154 = tpu.memref_slice %arg6[%add3A_130, %dma_start3A_153] : memref<10240x128xf32, #tpu.memory_space<vmem_shared>> -> memref<80x128xf32, #tpu.memory_space<vmem_shared>>
      %dma_start3A_155 = arith.constant 0 : i32
      %dma_start3A_156 = arith.constant 0 : i32
      %dma_start3A_157 = tpu.memref_slice %arg9[%dma_start3A_155, %dma_start3A_156] : memref<125x128xf32, #tpu.memory_space<vmem>> -> memref<80x128xf32, #tpu.memory_space<vmem>>
      %dma_start3A_158 = arith.constant 0 : i32
      %dma_start3A_159 = tpu.memref_slice %arg6[%add3A_130, %dma_start3A_158] : memref<10240x128xf32, #tpu.memory_space<vmem_shared>> -> memref<80x128xf32, #tpu.memory_space<vmem_shared>>
      tpu.enqueue_dma source(%dma_start3A_159 : memref<80x128xf32, #tpu.memory_space<vmem_shared>>) target(%dma_start3A_157 : memref<80x128xf32, #tpu.memory_space<vmem>>) target_semaphore(%run_scoped3A_149 : memref<!tpu.dma_semaphore, #tpu.memory_space<semaphore_mem>>)
      %dma_wait3A = arith.constant 0 : i32
      %dma_wait3A_160 = arith.constant 0 : i32
      %dma_wait3A_161 = tpu.memref_slice %arg9[%dma_wait3A, %dma_wait3A_160] : memref<125x128xf32, #tpu.memory_space<vmem>> -> memref<80x128xf32, #tpu.memory_space<vmem>>
      %dma_wait3A_162 = arith.constant 0 : i32
      %dma_wait3A_163 = tpu.memref_slice %arg6[%add3A_130, %dma_wait3A_162] : memref<10240x128xf32, #tpu.memory_space<vmem_shared>> -> memref<80x128xf32, #tpu.memory_space<vmem_shared>>
      %dma_wait3A_164 = arith.constant 0 : i32
      %dma_wait3A_165 = arith.constant 0 : i32
      %dma_wait3A_166 = tpu.memref_slice %arg9[%dma_wait3A_164, %dma_wait3A_165] : memref<125x128xf32, #tpu.memory_space<vmem>> -> memref<80x128xf32, #tpu.memory_space<vmem>>
      %dma_wait3A_167 = arith.constant 0 : i32
      %dma_wait3A_168 = tpu.memref_slice %arg6[%add3A_130, %dma_wait3A_167] : memref<10240x128xf32, #tpu.memory_space<vmem_shared>> -> memref<80x128xf32, #tpu.memory_space<vmem_shared>>
      tpu.wait_dma2 semaphore(%run_scoped3A_149 : memref<!tpu.dma_semaphore, #tpu.memory_space<semaphore_mem>>) src(%dma_wait3A_168 : memref<80x128xf32, #tpu.memory_space<vmem_shared>>) dst(%dma_wait3A_166 : memref<80x128xf32, #tpu.memory_space<vmem>>)
      tpu.yield
    }) : () -> ()
    %mul3A_131 = arith.constant 10240 : i32
    %mul3A_132 = arith.muli %arg0, %mul3A_131 : i32
    %mul3A_133 = arith.constant 640 : i32
    %mul3A_134 = arith.muli %arg1, %mul3A_133 : i32
    %add3A_135 = arith.addi %mul3A_132, %mul3A_134 : i32
    %add3A_136 = arith.constant 480 : i32
    %add3A_137 = arith.addi %add3A_135, %add3A_136 : i32
    "tpu.region"() ({
      %run_scoped3A_149 = tpu.sem_alloc : memref<!tpu.dma_semaphore, #tpu.memory_space<semaphore_mem>>
      %dma_start3A_150 = arith.constant 0 : i32
      %dma_start3A_151 = arith.constant 0 : i32
      %dma_start3A_152 = tpu.memref_slice %arg9[%dma_start3A_150, %dma_start3A_151] : memref<125x128xf32, #tpu.memory_space<vmem>> -> memref<80x128xf32, #tpu.memory_space<vmem>>
      %dma_start3A_153 = arith.constant 0 : i32
      %dma_start3A_154 = tpu.memref_slice %arg5[%add3A_137, %dma_start3A_153] : memref<20480x128xf32, #tpu.memory_space<hbm>> -> memref<80x128xf32, #tpu.memory_space<hbm>>
      %dma_start3A_155 = arith.constant 0 : i32
      %dma_start3A_156 = tpu.memref_slice %arg5[%add3A_137, %dma_start3A_155] : memref<20480x128xf32, #tpu.memory_space<hbm>> -> memref<80x128xf32, #tpu.memory_space<hbm>>
      %dma_start3A_157 = arith.constant 0 : i32
      %dma_start3A_158 = arith.constant 0 : i32
      %dma_start3A_159 = tpu.memref_slice %arg9[%dma_start3A_157, %dma_start3A_158] : memref<125x128xf32, #tpu.memory_space<vmem>> -> memref<80x128xf32, #tpu.memory_space<vmem>>
      tpu.enqueue_dma source(%dma_start3A_159 : memref<80x128xf32, #tpu.memory_space<vmem>>) target(%dma_start3A_156 : memref<80x128xf32, #tpu.memory_space<hbm>>) target_semaphore(%run_scoped3A_149 : memref<!tpu.dma_semaphore, #tpu.memory_space<semaphore_mem>>)
      %dma_wait3A = arith.constant 0 : i32
      %dma_wait3A_160 = arith.constant 0 : i32
      %dma_wait3A_161 = tpu.memref_slice %arg9[%dma_wait3A, %dma_wait3A_160] : memref<125x128xf32, #tpu.memory_space<vmem>> -> memref<80x128xf32, #tpu.memory_space<vmem>>
      %dma_wait3A_162 = arith.constant 0 : i32
      %dma_wait3A_163 = tpu.memref_slice %arg5[%add3A_137, %dma_wait3A_162] : memref<20480x128xf32, #tpu.memory_space<hbm>> -> memref<80x128xf32, #tpu.memory_space<hbm>>
      %dma_wait3A_164 = arith.constant 0 : i32
      %dma_wait3A_165 = tpu.memref_slice %arg5[%add3A_137, %dma_wait3A_164] : memref<20480x128xf32, #tpu.memory_space<hbm>> -> memref<80x128xf32, #tpu.memory_space<hbm>>
      %dma_wait3A_166 = arith.constant 0 : i32
      %dma_wait3A_167 = arith.constant 0 : i32
      %dma_wait3A_168 = tpu.memref_slice %arg9[%dma_wait3A_166, %dma_wait3A_167] : memref<125x128xf32, #tpu.memory_space<vmem>> -> memref<80x128xf32, #tpu.memory_space<vmem>>
      tpu.wait_dma2 semaphore(%run_scoped3A_149 : memref<!tpu.dma_semaphore, #tpu.memory_space<semaphore_mem>>) src(%dma_wait3A_168 : memref<80x128xf32, #tpu.memory_space<vmem>>) dst(%dma_wait3A_165 : memref<80x128xf32, #tpu.memory_space<hbm>>)
      tpu.yield
    }) : () -> ()
    %mul3A_138 = arith.constant 640 : i32
    %mul3A_139 = arith.muli %arg1, %mul3A_138 : i32
    %add3A_140 = arith.constant 560 : i32
    %add3A_141 = arith.addi %mul3A_139, %add3A_140 : i32
    "tpu.region"() ({
      %run_scoped3A_149 = tpu.sem_alloc : memref<!tpu.dma_semaphore, #tpu.memory_space<semaphore_mem>>
      %dma_start3A_150 = arith.constant 0 : i32
      %dma_start3A_151 = arith.constant 0 : i32
      %dma_start3A_152 = tpu.memref_slice %arg9[%dma_start3A_150, %dma_start3A_151] : memref<125x128xf32, #tpu.memory_space<vmem>> -> memref<80x128xf32, #tpu.memory_space<vmem>>
      %dma_start3A_153 = arith.constant 0 : i32
      %dma_start3A_154 = tpu.memref_slice %arg6[%add3A_141, %dma_start3A_153] : memref<10240x128xf32, #tpu.memory_space<vmem_shared>> -> memref<80x128xf32, #tpu.memory_space<vmem_shared>>
      %dma_start3A_155 = arith.constant 0 : i32
      %dma_start3A_156 = arith.constant 0 : i32
      %dma_start3A_157 = tpu.memref_slice %arg9[%dma_start3A_155, %dma_start3A_156] : memref<125x128xf32, #tpu.memory_space<vmem>> -> memref<80x128xf32, #tpu.memory_space<vmem>>
      %dma_start3A_158 = arith.constant 0 : i32
      %dma_start3A_159 = tpu.memref_slice %arg6[%add3A_141, %dma_start3A_158] : memref<10240x128xf32, #tpu.memory_space<vmem_shared>> -> memref<80x128xf32, #tpu.memory_space<vmem_shared>>
      tpu.enqueue_dma source(%dma_start3A_159 : memref<80x128xf32, #tpu.memory_space<vmem_shared>>) target(%dma_start3A_157 : memref<80x128xf32, #tpu.memory_space<vmem>>) target_semaphore(%run_scoped3A_149 : memref<!tpu.dma_semaphore, #tpu.memory_space<semaphore_mem>>)
      %dma_wait3A = arith.constant 0 : i32
      %dma_wait3A_160 = arith.constant 0 : i32
      %dma_wait3A_161 = tpu.memref_slice %arg9[%dma_wait3A, %dma_wait3A_160] : memref<125x128xf32, #tpu.memory_space<vmem>> -> memref<80x128xf32, #tpu.memory_space<vmem>>
      %dma_wait3A_162 = arith.constant 0 : i32
      %dma_wait3A_163 = tpu.memref_slice %arg6[%add3A_141, %dma_wait3A_162] : memref<10240x128xf32, #tpu.memory_space<vmem_shared>> -> memref<80x128xf32, #tpu.memory_space<vmem_shared>>
      %dma_wait3A_164 = arith.constant 0 : i32
      %dma_wait3A_165 = arith.constant 0 : i32
      %dma_wait3A_166 = tpu.memref_slice %arg9[%dma_wait3A_164, %dma_wait3A_165] : memref<125x128xf32, #tpu.memory_space<vmem>> -> memref<80x128xf32, #tpu.memory_space<vmem>>
      %dma_wait3A_167 = arith.constant 0 : i32
      %dma_wait3A_168 = tpu.memref_slice %arg6[%add3A_141, %dma_wait3A_167] : memref<10240x128xf32, #tpu.memory_space<vmem_shared>> -> memref<80x128xf32, #tpu.memory_space<vmem_shared>>
      tpu.wait_dma2 semaphore(%run_scoped3A_149 : memref<!tpu.dma_semaphore, #tpu.memory_space<semaphore_mem>>) src(%dma_wait3A_168 : memref<80x128xf32, #tpu.memory_space<vmem_shared>>) dst(%dma_wait3A_166 : memref<80x128xf32, #tpu.memory_space<vmem>>)
      tpu.yield
    }) : () -> ()
    %mul3A_142 = arith.constant 10240 : i32
    %mul3A_143 = arith.muli %arg0, %mul3A_142 : i32
    %mul3A_144 = arith.constant 640 : i32
    %mul3A_145 = arith.muli %arg1, %mul3A_144 : i32
    %add3A_146 = arith.addi %mul3A_143, %mul3A_145 : i32
    %add3A_147 = arith.constant 560 : i32
    %add3A_148 = arith.addi %add3A_146, %add3A_147 : i32
    "tpu.region"() ({
      %run_scoped3A_149 = tpu.sem_alloc : memref<!tpu.dma_semaphore, #tpu.memory_space<semaphore_mem>>
      %dma_start3A_150 = arith.constant 0 : i32
      %dma_start3A_151 = arith.constant 0 : i32
      %dma_start3A_152 = tpu.memref_slice %arg9[%dma_start3A_150, %dma_start3A_151] : memref<125x128xf32, #tpu.memory_space<vmem>> -> memref<80x128xf32, #tpu.memory_space<vmem>>
      %dma_start3A_153 = arith.constant 0 : i32
      %dma_start3A_154 = tpu.memref_slice %arg5[%add3A_148, %dma_start3A_153] : memref<20480x128xf32, #tpu.memory_space<hbm>> -> memref<80x128xf32, #tpu.memory_space<hbm>>
      %dma_start3A_155 = arith.constant 0 : i32
      %dma_start3A_156 = tpu.memref_slice %arg5[%add3A_148, %dma_start3A_155] : memref<20480x128xf32, #tpu.memory_space<hbm>> -> memref<80x128xf32, #tpu.memory_space<hbm>>
      %dma_start3A_157 = arith.constant 0 : i32
      %dma_start3A_158 = arith.constant 0 : i32
      %dma_start3A_159 = tpu.memref_slice %arg9[%dma_start3A_157, %dma_start3A_158] : memref<125x128xf32, #tpu.memory_space<vmem>> -> memref<80x128xf32, #tpu.memory_space<vmem>>
      tpu.enqueue_dma source(%dma_start3A_159 : memref<80x128xf32, #tpu.memory_space<vmem>>) target(%dma_start3A_156 : memref<80x128xf32, #tpu.memory_space<hbm>>) target_semaphore(%run_scoped3A_149 : memref<!tpu.dma_semaphore, #tpu.memory_space<semaphore_mem>>)
      %dma_wait3A = arith.constant 0 : i32
      %dma_wait3A_160 = arith.constant 0 : i32
      %dma_wait3A_161 = tpu.memref_slice %arg9[%dma_wait3A, %dma_wait3A_160] : memref<125x128xf32, #tpu.memory_space<vmem>> -> memref<80x128xf32, #tpu.memory_space<vmem>>
      %dma_wait3A_162 = arith.constant 0 : i32
      %dma_wait3A_163 = tpu.memref_slice %arg5[%add3A_148, %dma_wait3A_162] : memref<20480x128xf32, #tpu.memory_space<hbm>> -> memref<80x128xf32, #tpu.memory_space<hbm>>
      %dma_wait3A_164 = arith.constant 0 : i32
      %dma_wait3A_165 = tpu.memref_slice %arg5[%add3A_148, %dma_wait3A_164] : memref<20480x128xf32, #tpu.memory_space<hbm>> -> memref<80x128xf32, #tpu.memory_space<hbm>>
      %dma_wait3A_166 = arith.constant 0 : i32
      %dma_wait3A_167 = arith.constant 0 : i32
      %dma_wait3A_168 = tpu.memref_slice %arg9[%dma_wait3A_166, %dma_wait3A_167] : memref<125x128xf32, #tpu.memory_space<vmem>> -> memref<80x128xf32, #tpu.memory_space<vmem>>
      tpu.wait_dma2 semaphore(%run_scoped3A_149 : memref<!tpu.dma_semaphore, #tpu.memory_space<semaphore_mem>>) src(%dma_wait3A_168 : memref<80x128xf32, #tpu.memory_space<vmem>>) dst(%dma_wait3A_165 : memref<80x128xf32, #tpu.memory_space<hbm>>)
      tpu.yield
    }) : () -> ()
    return
  }
}

module attributes {stable_mosaic.version = 14 : i64} {
  func.func @_add_body(%arg0: i32, %arg1: memref<1280x128xf32, #tpu.memory_space<vmem>>, %arg2: memref<1280x128xf32, #tpu.memory_space<vmem>>, %arg3: memref<1280x128xf32, #tpu.memory_space<vmem>>) attributes {dimension_semantics = [#tpu.dimension_semantics<arbitrary>], iteration_bounds = array<i64: 8>, scalar_prefetch = 0 : i64, scratch_operands = 0 : i64, tpu.core_type = #tpu.core_type<tc>, window_params = [{transform_indices = @transform_0, window_bounds = array<i64: 1280, 128>}, {transform_indices = @transform_1, window_bounds = array<i64: 1280, 128>}, {transform_indices = @transform_2, window_bounds = array<i64: 1280, 128>}]} {
    %get3A = arith.constant 0 : index
    %get3A_0 = arith.constant 0 : index
    %get3A_1 = vector.load %arg1[%get3A, %get3A_0] : memref<1280x128xf32, #tpu.memory_space<vmem>>, vector<1280x128xf32>
    %get3A_2 = arith.constant 0 : index
    %get3A_3 = arith.constant 0 : index
    %get3A_4 = vector.load %arg2[%get3A_2, %get3A_3] : memref<1280x128xf32, #tpu.memory_space<vmem>>, vector<1280x128xf32>
    %add3A = arith.addf %get3A_1, %get3A_4 : vector<1280x128xf32>
    %swap3A = arith.constant 0 : index
    %swap3A_5 = arith.constant 0 : index
    %swap3A_6 = vector.load %arg3[%swap3A, %swap3A_5] : memref<1280x128xf32, #tpu.memory_space<vmem>>, vector<1280x128xf32>
    tpu.vector_store %arg3[%swap3A, %swap3A_5], %add3A {strides = array<i32>} : memref<1280x128xf32, #tpu.memory_space<vmem>>, vector<1280x128xf32>,
    return
  }
  func.func @transform_0(%arg0: i32) -> (i32, i32) {
    %c0_i32 = arith.constant 0 : i32
    %c0_i32_0 = arith.constant 0 : i32
    return %arg0, %c0_i32 : i32, i32
  }
  func.func @transform_1(%arg0: i32) -> (i32, i32) {
    %add3A = arith.constant 8 : i32
    %add3A_0 = arith.addi %arg0, %add3A : i32
    %c0_i32 = arith.constant 0 : i32
    %c0_i32_1 = arith.constant 0 : i32
    return %add3A_0, %c0_i32 : i32, i32
  }
  func.func @transform_2(%arg0: i32) -> (i32, i32) {
    %c0_i32 = arith.constant 0 : i32
    %c0_i32_0 = arith.constant 0 : i32
    return %arg0, %c0_i32 : i32, i32
  }
}

module attributes {stable_mosaic.version = 14 : i64} {
  func.func @_mm_body(%arg0: i32, %arg1: memref<1000x128xf32, #tpu.memory_space<vmem>>, %arg2: memref<128x128xf32, #tpu.memory_space<vmem>>, %arg3: memref<1x128xf32, #tpu.memory_space<vmem>>, %arg4: memref<1000x128xf32, #tpu.memory_space<vmem>>) attributes {dimension_semantics = [#tpu.dimension_semantics<arbitrary>], iteration_bounds = array<i64: 10>, scalar_prefetch = 0 : i64, scratch_operands = 0 : i64, tpu.core_type = #tpu.core_type<tc>, window_params = [{transform_indices = @transform_0, window_bounds = array<i64: 1000, 128>}, {pipeline_mode = #tpu.pipeline_mode<synchronous>, transform_indices = @transform_1, window_bounds = array<i64: 128, 128>}, {pipeline_mode = #tpu.pipeline_mode<synchronous>, transform_indices = @transform_2, window_bounds = array<i64: 1, 128>}, {transform_indices = @transform_3, window_bounds = array<i64: 1000, 128>}]} {
    %get3A = arith.constant 0 : index
    %get3A_0 = arith.constant 0 : index
    %get3A_1 = vector.load %arg1[%get3A, %get3A_0] : memref<1000x128xf32, #tpu.memory_space<vmem>>, vector<1000x128xf32>
    %get3A_2 = arith.constant 0 : index
    %get3A_3 = arith.constant 0 : index
    %get3A_4 = vector.load %arg2[%get3A_2, %get3A_3] : memref<128x128xf32, #tpu.memory_space<vmem>>, vector<128x128xf32>
    %dot_general3A = arith.constant dense<0.000000e+00> : vector<1000x128xf32>
    %dot_general3A_5 = tpu.matmul %get3A_1, %get3A_4, %dot_general3A {dimension_numbers = #tpu.dot_dimension_numbers<[1], [1], [0], [0], [0, 0, 1, 0], [], []>, transpose_lhs_hint = false} : vector<1000x128xf32>, vector<128x128xf32>, vector<1000x128xf32> -> vector<1000x128xf32>
    %get3A_6 = arith.constant 0 : index
    %get3A_7 = arith.constant 0 : index
    %get3A_8 = vector.load %arg3[%get3A_6, %get3A_7] : memref<1x128xf32, #tpu.memory_space<vmem>>, vector<1x128xf32>
    %add3A = vector.broadcast %get3A_8 : vector<1x128xf32> to vector<1000x128xf32>
    %add3A_9 = arith.addf %dot_general3A_5, %add3A : vector<1000x128xf32>
    %swap3A = arith.constant 0 : index
    %swap3A_10 = arith.constant 0 : index
    %swap3A_11 = vector.load %arg4[%swap3A, %swap3A_10] : memref<1000x128xf32, #tpu.memory_space<vmem>>, vector<1000x128xf32>
    tpu.vector_store %arg4[%swap3A, %swap3A_10], %add3A_9 {strides = array<i32>} : memref<1000x128xf32, #tpu.memory_space<vmem>>, vector<1000x128xf32>,
    return
  }
  func.func @transform_0(%arg0: i32) -> (i32, i32) {
    %c0_i32 = arith.constant 0 : i32
    %c0_i32_0 = arith.constant 0 : i32
    return %arg0, %c0_i32 : i32, i32
  }
  func.func @transform_1(%arg0: i32) -> (i32, i32) {
    %c0_i32 = arith.constant 0 : i32
    %c0_i32_0 = arith.constant 0 : i32
    %c0_i32_1 = arith.constant 0 : i32
    return %c0_i32, %c0_i32_0 : i32, i32
  }
  func.func @transform_2(%arg0: i32) -> (i32, i32) {
    %c0_i32 = arith.constant 0 : i32
    %c0_i32_0 = arith.constant 0 : i32
    %c0_i32_1 = arith.constant 0 : i32
    return %c0_i32, %c0_i32_0 : i32, i32
  }
  func.func @transform_3(%arg0: i32) -> (i32, i32) {
    %c0_i32 = arith.constant 0 : i32
    %c0_i32_0 = arith.constant 0 : i32
    return %arg0, %c0_i32 : i32, i32
  }
}

</mosaic_0001>

<sc_bundles>
// kernel: kernel.5.cloned.1.call-start
scs
__scs_entry_jumppad:
0x0: {  	(pc) =	sbr.rel $0x88, $3  }
0x1: {  	(tag) =	ssettag $0x0;
	lr =	simm.s32 $0x1  }
0x2: {  	[smem:$0x3F9D] =	sst lr;
	_ =	strace $0xD0000000  }
0x3: {  	_ = 	snop  }
0x4: {  	_ = 	snop  }
0x5: {  	_ = 	snop  }
0x6: {  	_ = 	snop  }
0x7: {  	_ = 	snop  }
__scs_overlays_trampoline_lowered:
0x8: {  	[smem:$0x3FAC] =	sst s0  }
0x9: {  	[smem:$0x3FAD] =	sst s1  }
0xa: {  	[smem:$0x3FAE] =	sst s2  }
0xb: {  	[smem:$0x3FAF] =	sst s3  }
0xc: {  	[smem:$0x3FB0] =	sst s4  }
0xd: {  	[smem:$0x3FB1] =	sst s5  }
0xe: {  	[smem:$0x3FB2] =	sst s6  }
0xf: {  	[smem:$0x3FB3] =	sst s7  }
0x10: {  	[smem:$0x3FB4] =	sst s8  }
0x11: {  	[smem:$0x3FB5] =	sst s9;
	s0 =	simm.s32 @!p0 $0x0  }
0x12: {  	s1 =	sld [smem:$0x3F9B];
	s0 =	simm.s32 @p0 $0x1  }
0x13: {  	[smem:$0x3FB6] =	sst s0;
	s0 =	simm.s32 @!p1 $0x0  }
0x14: {  	s2 =	sld [smem:$0x3F9A];
	s0 =	simm.s32 @p1 $0x1  }
0x15: {  	[smem:$0x3FB7] =	sst s0;
	s0 =	simm.s32 @!p2 $0x0  }
0x16: {  	s3 =	sld [smem:$0x3FDB];
	s0 =	simm.s32 @p2 $0x1  }
0x17: {  	s4 =	simm.s32 $0x1BF5;
	[smem:$0x3FB9] =	sst s0  }
0x18: {  	s0 =	sld [smem:$0x3F9C];
	_ =	swait.ge [sflag:s4], $0x0  }
0x19: {  	s7 =	sld [smem:$0x3F9D]  }
0x1a: {  	s8 =	sadd.s32 $0xFFFFE003, lr  }
0x1b: {  	s9 =	sadd.s32 $0xFFFFFEF7, lr;
	s5 =	simm.s32 $0xFFFFFFFF;
	p2 =	slt.u32 s8, $0xFFFFF086  }
0x1c: {  	p1 =	slt.u32 s9, $0xF7A;
	s5 =	simm.s32 @!p2 $0x0  }
0x1d: {  	s5 =	simm.s32 @p1 $0x1;
	p0 =	seq.s32 s7, s2  }
0x1e: {  	s7 =	smul.u32 @!p0 $0xF7A, s2;
	p2 =	seq.s32 @!p0 s5, $0x0  }
0x1f: {  	s9 =	smul.u32 $0xF7A, s1;
	s8 =	simm.s32 @!p0 $0x1BF5;
	p2 =	por !p2, p0  }
0x20: {  	[sflag:s8] =	ssyncset.s32 @!p0 $0xFFFFF086;
	s6 =	sadd.s32 @!p0 s3, s7;
	s7 =	simm.s32 @!p0 $0x108  }
0x21: {  	s3 =	sadd.s32 s3, s9;
	s6 =	sadd.s32 @!p0 $0x88, s6;
	s7 =	simm.s32 @p2 $0x1082  }
0x22: {  	[simem:s7], [sflag:s8] =	dma.local @!p0 [hbm:s6], $0xF7A  }
0x23: {  	s9 =	sor.u32 $0xD0000000, s2;
	s6 =	simm.s32 $0x108;
	_ =	swait.ge @!p0 [sflag:s8], $0x0  }
0x24: {  	s3 =	sadd.s32 $0x88, s3;
	s6 =	simm.s32 @!p1 $0x1082;
	[sflag:s4] =	ssyncset.s32 $0xFFFFF086  }
0x25: {  	[simem:s6], [sflag:s4] =	dma.local [hbm:s3], $0xF7A  }
0x26: {  	[smem:$0x3F9D] =	sst s1;
	(tag) =	ssettag s2;
	_ =	strace s9  }
0x27: {  	s1 =	sld [smem:$0x3FAD]  }
0x28: {  	s2 =	sld [smem:$0x3FAE]  }
0x29: {  	s4 =	sld [smem:$0x3FB0]  }
0x2a: {  	p0 =	seq.s32 s5, $0x0;
	s5 =	sld [smem:$0x3FB1]  }
0x2b: {  	s6 =	sld [smem:$0x3FB2]  }
0x2c: {  	s7 =	sld [smem:$0x3FB3]  }
0x2d: {  	s3 =	simm.s32 $0x108;
	s8 =	sld [smem:$0x3FB4]  }
0x2e: {  	s3 =	simm.s32 @!p0 $0x1082;
	s9 =	sld [smem:$0x3FB5]  }
0x2f: {  	lr =	sadd.s32 s0, s3;
	s0 =	sld [smem:$0x3FAC]  }
0x30: {  	s3 =	sld [smem:$0x3FAF]  }
0x31: {  	[smem:$0x3FB8] =	sst s10  }
0x32: {  	s10 =	sld [smem:$0x3FB6];
	_ =	sdelay $0x3  }
0x33: {  	p0 =	seq.s32 s10, $0x1;
	s10 =	sld [smem:$0x3FB8];
	_ =	sdelay $0x3  }
0x34: {  	[smem:$0x3FB8] =	sst s10  }
0x35: {  	s10 =	sld [smem:$0x3FB7];
	_ =	sdelay $0x3  }
0x36: {  	p1 =	seq.s32 s10, $0x1;
	s10 =	sld [smem:$0x3FB8];
	_ =	sdelay $0x3  }
0x37: {  	[smem:$0x3FB8] =	sst s10  }
0x38: {  	s10 =	sld [smem:$0x3FB9]  }
0x39: {  	_ = 	snop;
	(pc) =	sbr.ind lr, $3  }
0x3a: {  	_ = 	snop  }
0x3b: {  	_ = 	snop  }
0x3c: {  	p2 =	seq.s32 s10, $0x1;
	s10 =	sld [smem:$0x3FB8]  }
0x3d: {  	_ =	shalt  }
0x3e: {  	_ =	shalt  }
0x3f: {  	_ =	shalt  }
0x40: {  	_ =	shalt  }
0x41: {  	_ =	shalt  }
0x42: {  	_ =	shalt  }
0x43: {  	_ =	shalt  }
0x44: {  	_ =	shalt  }
0x45: {  	_ =	shalt  }
0x46: {  	_ =	shalt  }
0x47: {  	_ =	shalt  }
0x48: {  	_ =	shalt  }
0x49: {  	_ =	shalt  }
0x4a: {  	_ =	shalt  }
0x4b: {  	_ =	shalt  }
0x4c: {  	_ =	shalt  }
0x4d: {  	_ =	shalt  }
0x4e: {  	_ =	shalt  }
0x4f: {  	_ =	shalt  }
0x50: {  	_ =	shalt  }
0x51: {  	_ =	shalt  }
0x52: {  	_ =	shalt  }
0x53: {  	_ =	shalt  }
0x54: {  	_ =	shalt  }
0x55: {  	_ =	shalt  }
0x56: {  	_ =	shalt  }
0x57: {  	_ =	shalt  }
0x58: {  	_ =	shalt  }
0x59: {  	_ =	shalt  }
0x5a: {  	_ =	shalt  }
0x5b: {  	_ =	shalt  }
0x5c: {  	_ =	shalt  }
0x5d: {  	_ =	shalt  }
0x5e: {  	_ =	shalt  }
0x5f: {  	_ =	shalt  }
0x60: {  	_ =	shalt  }
0x61: {  	_ =	shalt  }
0x62: {  	_ =	shalt  }
0x63: {  	_ =	shalt  }
0x64: {  	_ =	shalt  }
0x65: {  	_ =	shalt  }
0x66: {  	_ =	shalt  }
0x67: {  	_ =	shalt  }
0x68: {  	_ =	shalt  }
0x69: {  	_ =	shalt  }
0x6a: {  	_ =	shalt  }
0x6b: {  	_ =	shalt  }
0x6c: {  	_ =	shalt  }
0x6d: {  	_ =	shalt  }
0x6e: {  	_ =	shalt  }
0x6f: {  	_ =	shalt  }
0x70: {  	_ =	shalt  }
0x71: {  	_ =	shalt  }
0x72: {  	_ =	shalt  }
0x73: {  	_ =	shalt  }
0x74: {  	_ =	shalt  }
0x75: {  	_ =	shalt  }
0x76: {  	_ =	shalt  }
0x77: {  	_ =	shalt  }
0x78: {  	_ =	shalt  }
0x79: {  	_ =	shalt  }
0x7a: {  	_ =	shalt  }
0x7b: {  	_ =	shalt  }
0x7c: {  	_ =	shalt  }
0x7d: {  	_ =	shalt  }
0x7e: {  	_ =	shalt  }
0x7f: {  	_ =	shalt  }
0x80: {  	_ =	shalt  }
0x81: {  	_ =	shalt  }
0x82: {  	_ =	shalt  }
0x83: {  	_ =	shalt  }
0x84: {  	_ =	shalt  }
0x85: {  	_ =	shalt  }
0x86: {  	_ =	shalt  }
0x87: {  	_ =	shalt  }
.Lfunc_end0:
.L_simem_size_0:
called_computation_lowered:
.L_overlay_start_0:
0x88: {  	s2 =	sld [smem:$0x3FD9]  }
0x89: {  	s3 =	sld [smem:$0x3FFE];
	_ =	sdelay $0x1  }
0x8a: {  	s1 =	srdreg.scid  }
0x8b: {  	s0 =	sand.u32 $0x1, s1  }
0x8c: {  	s17 =	sshll.u32 s0, $0xA;
	s2 =	sadd.s32 s3, s2  }
0x8d: {  	s2 =	sadd.s32 s2, s17  }
0x8e: {  	[smem:$0x3FC4] =	sst s2  }
0x8f: {  	_ = 	snop  }
0x90: {  	s2 =	sld [smem:$0x3FD0];
	(tm) =	ssettm $0x1  }
0x91: {  	s18 =	sld [smem:$0x3FFB];
	_ =	sdelay $0x3  }
0x92: {  	_ =	strace s18  }
0x93: {  	s3 =	sld [smem:$0x3FFC];
	_ =	sdelay $0x3  }
0x94: {  	_ =	strace s3  }
0x95: {  	s3 =	sld [smem:$0x3FFD];
	_ =	sdelay $0x3  }
0x96: {  	_ =	strace s3  }
0x97: {  	_ =	strace $0x8FFFFFFF  }
0x98: {  	s19 =	sld [smem:$0x3FDB];
	_ =	sdelay $0x1  }
0x99: {  	s4 =	simm.s32 $_scs_section_size  }
0x9a: {  	s5 =	simm.s32 $_size__tile_overlayer_lowered;
	s6 =	simm.s32 $_tile_overlayer_lowered  }
0x9b: {  	s22 =	simm.s32 $0x1BFF;
	s21 =	sshll.u32 s6, $0x1;
	s3 =	sadd.s32 s4, s19  }
0x9c: {  	s7 =	simm.s32 $0x0;
	s20 =	sshll.u32 s5, $0x1;
	s5 =	sadd.s32 s21, s3  }
0x9d: {  	[timem:s7], [sflag:s22] =	dma.local [hbm:s5], s20  }
0x9e: {  	_ =	swait.ge [sflag:s22], s20  }
0x9f: {  	s4 =	ssub.s32 $0x0, s20;
	[sflag:s22] =	ssyncset.done $0x0  }
0xa0: {  	[sflag:s22] =	ssyncadd.s32 s4;
	_ =	sdelay $0x1  }
0xa1: {  	s23 =	simm.s32 $0x1B8B  }
0xa2: {  	_ =	swait.ge [sflag:s23], $0x1  }
0xa3: {  	[sflag:s23] =	ssyncset.done $0x0  }
0xa4: {  	s25 =	simm.s32 $0x1B8E;
	s24 =	sld [smem:$0x3FFE];
	[sflag:s23] =	ssyncadd.s32 $0xFFFFFFFF  }
0xa5: {  	s26 =	simm.s32 $execute0_lowered;
	[smem:$0x3FD2] =	sst s25  }
0xa6: {  	s5 =	sshll.u32 s26, $0x1;
	_ =	strace $0x80000046;
	[dreg:$0x1] =	wrdreg $0xFFFFFFFF  }
0xa7: {  	s28 =	simm.s32 $_size_execute0_lowered;
	s3 =	sadd.s32 s3, s5;
	[dreg:$0x0] =	wrdreg $0x0  }
0xa8: {  	s5 =	sshll.u32 s28, $0x1;
	[dreg:$0x2] =	wrdreg s3  }
0xa9: {  	[dreg:$0x3] =	wrdreg s5  }
0xaa: {  	[dreg:$0x4] =	wrdreg $0xC0  }
0xab: {  	_ =	task [dreg:s7], $0x5FFFF  }
0xac: {  	[dreg:$0x1] =	wrdreg $0xFFFFFFFF  }
0xad: {  	[dreg:$0x0] =	wrdreg $0x60  }
0xae: {  	[dreg:$0x2] =	wrdreg s2  }
0xaf: {  	[dreg:$0x3] =	wrdreg s24  }
0xb0: {  	[dreg:$0x4] =	wrdreg $0x0  }
0xb1: {  	[dreg:$0x5] =	wrdreg $0x9  }
0xb2: {  	_ =	task.clear_ibuf [dreg:s7], $0x6FFFF;
	_ =	strace $0x90000046  }
0xb3: {  	s29 =	simm.s32 $0x9;
	_ =	strace $0x80000048  }
0xb4: {  	_ =	swait.ge [sflag:s29], $0x1  }
0xb5: {  	[sflag:s29] =	ssyncadd.s32 $0xFFFFFFFF  }
0xb6: {  	_ =	strace $0x90000048  }
0xb7: {  	_ =	sfence  }
0xb8: {  	s30 =	sld [smem:$0x0];
	_ =	sdelay $0x2  }
0xb9: {  	s31 =	sshll.u32 s1, $0xD;
	s1 =	sshrl.u32 s1, $0x2  }
0xba: {  	s3 =	sand.u32 $0x4000, s31;
	s1 =	sadd.s32 s1, s30  }
0xbb: {  	s0 =	sor.u32 s3, s0;
	s1 =	sshll.u32 s1, $0x11  }
0xbc: {  	s0 =	sor.u32 s1, s0  }
0xbd: {  	s0 =	sadd.s32 $0x8F2B, s0  }
0xbe: {  	[sflag:s0] =	ssyncadd.remote.s32 $0x1  }
0xbf: {  	_ =	sfence.sel $0xFFFF  }
0xc0: {  	[dreg:$0x0] =	wrdreg $0xFFFFFFFF;
	(pc) =	sbr.abs _section_cstart, $3  }
0xc1: {  	[dreg:$0x1] =	wrdreg $0xFFFFFFFF  }
0xc2: {  	_ =	task.clear_ibuf [dreg:s7], $0x2FFFF;
	_ =	strace $0x9FFFFFFF  }
0xc3: {  	(tm) =	ssettm $0x7FFFFFFF  }
tec
execute0_lowered:
.L_overlay_start_1:
0x0: {  	(tag) =	ssettag $0x1  }
0x1: {  	s1 =	rddreg [dreg:$0x0]  }
0x2: {  	s0 =	srdreg.scid;
	s5 =	rddreg [dreg:$0x1]  }
0x3: {  	s8 =	stileid.u32;
	s3 =	rddreg [dreg:$0x2];
	s4 =	simm.s32 $0x0  }
0x4: {  	s28 =	simm.s32 $0x16800;
	s29 =	simm.s32 $0x3;
	s30 =	simm.s32 $0x14000  }
0x5: {  	s31 =	simm.s32 $0x15400;
	s14 =	simm.s32 $0x16780;
	s0 =	sand.u32 $0x1, s0  }
0x6: {  	s15 =	simm.s32 $0x15300;
	s6 =	smul.u32 $0x280, s8;
	s2 =	sshll.u32 s0, $0x4  }
0x7: {  	s16 =	simm.s32 $0x15380;
	s7 =	smul.u32 $0x2800, s0;
	s2 =	sor.u32 s8, s2  }
0x8: {  	[smem:$0x7FF] =	sst s4;
	s9 =	sadd.s32 $0x14E00, s5;
	s2 =	smul.u32 $0x2800, s2  }
0x9: {  	_ =	strace $0x80000047;
	[dreg:$0x4] =	wrdreg s9;
	s0 =	ssub.s32 $0x2, s0  }
0xa: {  	s8 =	smul.u32 $0x50000, s8;
	s18 =	sshrl.u32 s0, $0x1;
	s2 =	sshrl.u32 s2, $0x3  }
0xb: {  	s6 =	sadd.s32 s6, s7;
	s0 =	ssub.s32 s0, s18;
	s2 =	sadd.s32 s2, s5  }
0xc: {  	s6 =	sshll.u32 s6, $0x4;
	s17 =	sshrl.u32 s8, $0x2;
	s13 =	sadd.s32 $0xE00, s2  }
0xd: {  	s5 =	sadd.s32 s6, s5;
	s19 =	sadd.s32 $0xAE00, s2;
	[dreg:$0x5] =	wrdreg s13  }
0xe: {  	s6 =	sadd.s32 s17, s3;
	s20 =	sadd.s32 $0x1080, s2;
	[dreg:$0x6] =	wrdreg s19  }
0xf: {  	s17 =	simm.s32 $0x0;
	s2 =	sadd.s32 $0xB080, s2;
	[dreg:$0x7] =	wrdreg s20  }
0x10: {  	s7 =	sadd.s32 $0x2800, s6;
	s21 =	sadd.s32 $0x15400, s5;
	[dreg:$0x8] =	wrdreg s2  }
0x11: {  	s8 =	sadd.s32 $0x5000, s6;
	s22 =	sadd.s32 $0x15900, s5;
	[dreg:$0x9] =	wrdreg s21  }
0x12: {  	s9 =	sadd.s32 $0x7800, s6;
	s23 =	sadd.s32 $0x15E00, s5;
	[dreg:$0xa] =	wrdreg s22  }
0x13: {  	s10 =	sadd.s32 $0xA000, s6;
	s24 =	sadd.s32 $0x16300, s5;
	[dreg:$0xb] =	wrdreg s23  }
0x14: {  	s11 =	sadd.s32 $0xC800, s6;
	s25 =	sadd.s32 $0x16800, s5;
	[dreg:$0xc] =	wrdreg s24  }
0x15: {  	s12 =	sadd.s32 $0xF000, s6;
	s26 =	sadd.s32 $0x16D00, s5;
	[dreg:$0xd] =	wrdreg s25  }
0x16: {  	[dreg:$0xe] =	wrdreg s26;
	s23 =	sadd.s32 $0x17200, s5;
	s24 =	sadd.s32 $0x17700, s5  }
0x17: {  	s25 =	smax.u32 s0, $0x1;
	s26 =	sadd.s32 $0x11800, s6;
	s2 =	simm.s32 $0x7D  }
0x18: {  	s0 =	simm.s32 $0x1A800;
	s5 =	simm.s32 $0x1;
	s13 =	simm.s32 $0x2  }
.LBB2_1:
0x19: {  	s18 =	rddreg [dreg:$0x4]  }
0x1a: {  	[tilespmem:s28], [sflag:$0x3] =	stream.linear.gather [hbm4b:s18+s4], $0x2800, $0x38;
	[tilespmem:$0x1E800] =	vst v63  }
0x1b: {  	_ =	swait.ge [sflag:s29], $0x2800  }
0x1c: {  	[sflag:s29] =	ssyncset.done $0x0  }
0x1d: {  	[sflag:s29] =	ssyncadd.s32 $0xFFFFD800  }
0x1e: {  	[spmem:s6] =	stream.linear.scatter [tilespmem:s28], [sflag:$0x3], $0x2800, $0x38;
	[tilespmem:$0x1E800] =	vst v63  }
0x1f: {  	_ =	swait.ge [sflag:s29], $0x2800  }
0x20: {  	[sflag:s29] =	ssyncset.done $0x0  }
0x21: {  	[sflag:s29] =	ssyncadd.s32 $0xFFFFD800  }
0x22: {  	[spmem:s7] =	stream.linear.scatter [tilespmem:s28], [sflag:$0x3], $0x2800, $0x38;
	[tilespmem:$0x1E800] =	vst v63  }
0x23: {  	_ =	swait.ge [sflag:s29], $0x2800  }
0x24: {  	[sflag:s29] =	ssyncset.done $0x0  }
0x25: {  	[sflag:s29] =	ssyncadd.s32 $0xFFFFD800  }
0x26: {  	[spmem:s8] =	stream.linear.scatter [tilespmem:s28], [sflag:$0x3], $0x2800, $0x38;
	[tilespmem:$0x1E800] =	vst v63  }
0x27: {  	_ =	swait.ge [sflag:s29], $0x2800  }
0x28: {  	[sflag:s29] =	ssyncset.done $0x0  }
0x29: {  	[sflag:s29] =	ssyncadd.s32 $0xFFFFD800  }
0x2a: {  	[spmem:s9] =	stream.linear.scatter [tilespmem:s28], [sflag:$0x3], $0x2800, $0x38;
	[tilespmem:$0x1E800] =	vst v63  }
0x2b: {  	_ =	swait.ge [sflag:s29], $0x2800  }
0x2c: {  	[sflag:s29] =	ssyncset.done $0x0  }
0x2d: {  	[sflag:s29] =	ssyncadd.s32 $0xFFFFD800  }
0x2e: {  	[spmem:s10] =	stream.linear.scatter [tilespmem:s28], [sflag:$0x3], $0x2800, $0x38;
	[tilespmem:$0x1E800] =	vst v63  }
0x2f: {  	_ =	swait.ge [sflag:s29], $0x2800  }
0x30: {  	[sflag:s29] =	ssyncset.done $0x0  }
0x31: {  	[sflag:s29] =	ssyncadd.s32 $0xFFFFD800  }
0x32: {  	[spmem:s11] =	stream.linear.scatter [tilespmem:s28], [sflag:$0x3], $0x2800, $0x38;
	[tilespmem:$0x1E800] =	vst v63  }
0x33: {  	_ =	swait.ge [sflag:s29], $0x2800  }
0x34: {  	[sflag:s29] =	ssyncset.done $0x0  }
0x35: {  	[sflag:s29] =	ssyncadd.s32 $0xFFFFD800  }
0x36: {  	[spmem:s12] =	stream.linear.scatter [tilespmem:s28], [sflag:$0x3], $0x2800, $0x38;
	[tilespmem:$0x1E800] =	vst v63  }
0x37: {  	_ =	swait.ge [sflag:s29], $0x2800  }
0x38: {  	[sflag:s29] =	ssyncset.done $0x0  }
0x39: {  	[sflag:s29] =	ssyncadd.s32 $0xFFFFD800  }
0x3a: {  	[spmem:s26] =	stream.linear.scatter [tilespmem:s28], [sflag:$0x3], $0x2800, $0x38;
	[tilespmem:$0x1E800] =	vst v63  }
0x3b: {  	_ =	swait.ge [sflag:s29], $0x2800  }
0x3c: {  	[sflag:s29] =	ssyncset.done $0x0  }
0x3d: {  	[sflag:s29] =	ssyncadd.s32 $0xFFFFD800  }
0x3e: {  	[bflag:$0x0] =	sbarrier.arrive $0xFFFF  }
0x3f: {  	s21 =	rddreg [dreg:$0x5]  }
0x40: {  	[tilespmem:s30], [sflag:$0x3] =	stream.linear.gather [hbm4b:s21+s4], $0x1400, $0x38;
	[tilespmem:$0x1E800] =	vst v63  }
0x41: {  	_ =	swait.ge [sflag:s29], $0x1400  }
0x42: {  	[sflag:s29] =	ssyncset.done $0x0  }
0x43: {  	s22 =	rddreg [dreg:$0x6];
	[sflag:s29] =	ssyncadd.s32 $0xFFFFEC00  }
0x44: {  	[tilespmem:s31], [sflag:$0x3] =	stream.linear.gather [hbm4b:s22+s4], $0x1400, $0x38;
	[tilespmem:$0x1E800] =	vst v63  }
0x45: {  	_ =	swait.ge [sflag:s29], $0x1400  }
0x46: {  	[sflag:s29] =	ssyncset.done $0x0  }
0x47: {  	[sflag:s29] =	ssyncadd.s32 $0xFFFFEC00  }
0x48: {  	[tilespmem:s28], [sflag:$0x1] =	stream.indirect.gather [hbm4b:s1+s2], $0x80, s31, s2, $0xb8;
	[tilespmem:$0x1E800] =	vst v63  }
0x49: {  	s19 =	simm.s32 $0x15480  }
0x4a: {  	[tilespmem:s0], [sflag:$0x2] =	stream.indirect.gather [hbm4b:s1+s2], $0x80, s19, s2, $0xb8;
	[tilespmem:$0x1E800] =	vst v63  }
0x4b: {  	_ =	swait.ge [sflag:s5], $0x3E80  }
0x4c: {  	[sflag:s5] =	ssyncset.done $0x0  }
0x4d: {  	s20 =	simm.s32 $0x14000;
	[sflag:s5] =	ssyncadd.s32 $0xFFFFC180  }
0x4e: {  	[spmem:s3] =	stream.indirect.scatter.add.f32 [tilespmem:s28], [sflag:$0x3], $0x80, s20, s2, $0xb8;
	[tilespmem:$0x1E800] =	vst v63  }
0x4f: {  	_ =	swait.ge [sflag:s29], $0x3E80  }
0x50: {  	[sflag:s29] =	ssyncset.done $0x0  }
0x51: {  	s21 =	simm.s32 $0x15500;
	[sflag:s29] =	ssyncadd.s32 $0xFFFFC180  }
0x52: {  	[tilespmem:s28], [sflag:$0x1] =	stream.indirect.gather [hbm4b:s1+s2], $0x80, s21, s2, $0xb8;
	[tilespmem:$0x1E800] =	vst v63  }
0x53: {  	_ =	swait.ge [sflag:s13], $0x3E80  }
0x54: {  	[sflag:s13] =	ssyncset.done $0x0  }
0x55: {  	s22 =	simm.s32 $0x14080;
	[sflag:s13] =	ssyncadd.s32 $0xFFFFC180  }
0x56: {  	[spmem:s3] =	stream.indirect.scatter.add.f32 [tilespmem:s0], [sflag:$0x3], $0x80, s22, s2, $0xb8;
	[tilespmem:$0x1E800] =	vst v63  }
0x57: {  	_ =	swait.ge [sflag:s29], $0x3E80  }
0x58: {  	s18 =	simm.s32 $0x100;
	s19 =	simm.s32 $0x800;
	[sflag:s29] =	ssyncset.done $0x0  }
.LBB2_2:
0x59: {  	s20 =	sadd.s32 $0x15480, s18  }
0x5a: {  	[sflag:s29] =	ssyncadd.s32 $0xFFFFC180;
	s21 =	smov.u32 s19;
	s22 =	sadd.s32 $0x400, s19  }
0x5b: {  	[tilespmem:s0], [sflag:$0x2] =	stream.indirect.gather [hbm4b:s1+s2], $0x80, s20, s2, $0xb8;
	[tilespmem:$0x1E800] =	vst v63  }
0x5c: {  	p0 =	sne.s32 s19, $0x4800;
	_ =	swait.ge [sflag:s5], $0x3E80  }
0x5d: {  	[sflag:s5] =	ssyncset.done $0x0  }
0x5e: {  	s19 =	sadd.s32 $0x14000, s18;
	[sflag:s5] =	ssyncadd.s32 $0xFFFFC180  }
0x5f: {  	[spmem:s3] =	stream.indirect.scatter.add.f32 [tilespmem:s28], [sflag:$0x3], $0x80, s19, s2, $0xb8;
	[tilespmem:$0x1E800] =	vst v63  }
0x60: {  	_ =	swait.ge [sflag:s29], $0x3E80  }
0x61: {  	[sflag:s29] =	ssyncset.done $0x0  }
0x62: {  	s19 =	sadd.s32 $0x15500, s18;
	[sflag:s29] =	ssyncadd.s32 $0xFFFFC180  }
0x63: {  	[tilespmem:s28], [sflag:$0x1] =	stream.indirect.gather [hbm4b:s1+s2], $0x80, s19, s2, $0xb8;
	[tilespmem:$0x1E800] =	vst v63  }
0x64: {  	_ =	swait.ge [sflag:s13], $0x3E80  }
.Ltmp0:
0x65: {  	[sflag:s13] =	ssyncset.done $0x0;
	(pc) =	sbr.rel @p0 .LBB2_2-.Ltmp0, $4  }
0x66: {  	s18 =	sadd.s32 $0x14080, s18;
	[sflag:s13] =	ssyncadd.s32 $0xFFFFC180  }
0x67: {  	[spmem:s3] =	stream.indirect.scatter.add.f32 [tilespmem:s0], [sflag:$0x3], $0x80, s18, s2, $0xb8;
	[tilespmem:$0x1E800] =	vst v63  }
0x68: {  	_ =	swait.ge [sflag:s29], $0x3E80  }
0x69: {  	s19 =	smov.u32 s22;
	s18 =	sshra.s32 s21, $0x2;
	[sflag:s29] =	ssyncset.done $0x0  }
0x6a: {  	s19 =	sadd.s32 $0x15480, s18;
	[sflag:s29] =	ssyncadd.s32 $0xFFFFC180  }
0x6b: {  	[tilespmem:s0], [sflag:$0x2] =	stream.indirect.gather [hbm4b:s1+s2], $0x80, s19, s2, $0xb8;
	[tilespmem:$0x1E800] =	vst v63  }
0x6c: {  	_ =	swait.ge [sflag:s5], $0x3E80  }
0x6d: {  	[sflag:s5] =	ssyncset.done $0x0  }
0x6e: {  	s21 =	sadd.s32 $0x14000, s18;
	[sflag:s5] =	ssyncadd.s32 $0xFFFFC180  }
0x6f: {  	[spmem:s3] =	stream.indirect.scatter.add.f32 [tilespmem:s28], [sflag:$0x3], $0x80, s21, s2, $0xb8;
	[tilespmem:$0x1E800] =	vst v63  }
0x70: {  	_ =	swait.ge [sflag:s29], $0x3E80  }
0x71: {  	[sflag:s29] =	ssyncset.done $0x0  }
0x72: {  	s22 =	sadd.s32 $0x15500, s18;
	[sflag:s29] =	ssyncadd.s32 $0xFFFFC180  }
0x73: {  	[tilespmem:s28], [sflag:$0x1] =	stream.indirect.gather [hbm4b:s1+s2], $0x80, s22, s2, $0xb8;
	[tilespmem:$0x1E800] =	vst v63  }
0x74: {  	_ =	swait.ge [sflag:s13], $0x3E80  }
0x75: {  	[sflag:s13] =	ssyncset.done $0x0  }
0x76: {  	s19 =	sadd.s32 $0x14080, s18;
	[sflag:s13] =	ssyncadd.s32 $0xFFFFC180  }
0x77: {  	[spmem:s3] =	stream.indirect.scatter.add.f32 [tilespmem:s0], [sflag:$0x3], $0x80, s19, s2, $0xb8;
	[tilespmem:$0x1E800] =	vst v63  }
0x78: {  	_ =	swait.ge [sflag:s29], $0x3E80  }
0x79: {  	[sflag:s29] =	ssyncset.done $0x0  }
0x7a: {  	[sflag:s29] =	ssyncadd.s32 $0xFFFFC180  }
0x7b: {  	[tilespmem:s0], [sflag:$0x2] =	stream.indirect.gather [hbm4b:s1+s2], $0x80, s14, s2, $0xb8;
	[tilespmem:$0x1E800] =	vst v63  }
0x7c: {  	_ =	swait.ge [sflag:s5], $0x3E80  }
0x7d: {  	[sflag:s5] =	ssyncset.done $0x0  }
0x7e: {  	[sflag:s5] =	ssyncadd.s32 $0xFFFFC180  }
0x7f: {  	[spmem:s3] =	stream.indirect.scatter.add.f32 [tilespmem:s28], [sflag:$0x3], $0x80, s15, s2, $0xb8;
	[tilespmem:$0x1E800] =	vst v63  }
0x80: {  	_ =	swait.ge [sflag:s29], $0x3E80  }
0x81: {  	[sflag:s29] =	ssyncset.done $0x0  }
0x82: {  	[sflag:s29] =	ssyncadd.s32 $0xFFFFC180  }
0x83: {  	_ =	swait.ge [sflag:s13], $0x3E80  }
0x84: {  	[sflag:s13] =	ssyncset.done $0x0  }
0x85: {  	[sflag:s13] =	ssyncadd.s32 $0xFFFFC180  }
0x86: {  	[spmem:s3] =	stream.indirect.scatter.add.f32 [tilespmem:s0], [sflag:$0x3], $0x80, s16, s2, $0xb8;
	[tilespmem:$0x1E800] =	vst v63  }
0x87: {  	_ =	swait.ge [sflag:s29], $0x3E80  }
0x88: {  	[sflag:s29] =	ssyncset.done $0x0  }
0x89: {  	s20 =	simm.s32 $0x0;
	s21 =	rddreg [dreg:$0x7];
	[sflag:s29] =	ssyncadd.s32 $0xFFFFC180  }
0x8a: {  	[tilespmem:s30], [sflag:$0x3] =	stream.linear.gather [hbm4b:s21+s20], $0x1400, $0x38;
	[tilespmem:$0x1E800] =	vst v63  }
0x8b: {  	_ =	swait.ge [sflag:s29], $0x1400  }
0x8c: {  	[sflag:s29] =	ssyncset.done $0x0  }
0x8d: {  	s22 =	rddreg [dreg:$0x8];
	[sflag:s29] =	ssyncadd.s32 $0xFFFFEC00  }
0x8e: {  	[tilespmem:s31], [sflag:$0x3] =	stream.linear.gather [hbm4b:s22+s20], $0x1400, $0x38;
	[tilespmem:$0x1E800] =	vst v63  }
0x8f: {  	_ =	swait.ge [sflag:s29], $0x1400  }
0x90: {  	[sflag:s29] =	ssyncset.done $0x0  }
0x91: {  	[sflag:s29] =	ssyncadd.s32 $0xFFFFEC00  }
0x92: {  	[tilespmem:s28], [sflag:$0x1] =	stream.indirect.gather [hbm4b:s1+s2], $0x80, s31, s2, $0xb8;
	[tilespmem:$0x1E800] =	vst v63  }
0x93: {  	s19 =	simm.s32 $0x15480  }
0x94: {  	[tilespmem:s0], [sflag:$0x2] =	stream.indirect.gather [hbm4b:s1+s2], $0x80, s19, s2, $0xb8;
	[tilespmem:$0x1E800] =	vst v63  }
0x95: {  	_ =	swait.ge [sflag:s5], $0x3E80  }
0x96: {  	[sflag:s5] =	ssyncset.done $0x0  }
0x97: {  	s20 =	simm.s32 $0x14000;
	[sflag:s5] =	ssyncadd.s32 $0xFFFFC180  }
0x98: {  	[spmem:s3] =	stream.indirect.scatter.add.f32 [tilespmem:s28], [sflag:$0x3], $0x80, s20, s2, $0xb8;
	[tilespmem:$0x1E800] =	vst v63  }
0x99: {  	_ =	swait.ge [sflag:s29], $0x3E80  }
0x9a: {  	[sflag:s29] =	ssyncset.done $0x0  }
0x9b: {  	s21 =	simm.s32 $0x15500;
	[sflag:s29] =	ssyncadd.s32 $0xFFFFC180  }
0x9c: {  	[tilespmem:s28], [sflag:$0x1] =	stream.indirect.gather [hbm4b:s1+s2], $0x80, s21, s2, $0xb8;
	[tilespmem:$0x1E800] =	vst v63  }
0x9d: {  	_ =	swait.ge [sflag:s13], $0x3E80  }
0x9e: {  	[sflag:s13] =	ssyncset.done $0x0  }
0x9f: {  	s22 =	simm.s32 $0x14080;
	[sflag:s13] =	ssyncadd.s32 $0xFFFFC180  }
0xa0: {  	[spmem:s3] =	stream.indirect.scatter.add.f32 [tilespmem:s0], [sflag:$0x3], $0x80, s22, s2, $0xb8;
	[tilespmem:$0x1E800] =	vst v63  }
0xa1: {  	_ =	swait.ge [sflag:s29], $0x3E80  }
0xa2: {  	s18 =	simm.s32 $0x100;
	s19 =	simm.s32 $0x800;
	[sflag:s29] =	ssyncset.done $0x0  }
.LBB2_4:
0xa3: {  	s20 =	sadd.s32 $0x15480, s18  }
0xa4: {  	[sflag:s29] =	ssyncadd.s32 $0xFFFFC180;
	s21 =	smov.u32 s19;
	s22 =	sadd.s32 $0x400, s19  }
0xa5: {  	[tilespmem:s0], [sflag:$0x2] =	stream.indirect.gather [hbm4b:s1+s2], $0x80, s20, s2, $0xb8;
	[tilespmem:$0x1E800] =	vst v63  }
0xa6: {  	p0 =	sne.s32 s19, $0x4800;
	_ =	swait.ge [sflag:s5], $0x3E80  }
0xa7: {  	[sflag:s5] =	ssyncset.done $0x0  }
0xa8: {  	s19 =	sadd.s32 $0x14000, s18;
	[sflag:s5] =	ssyncadd.s32 $0xFFFFC180  }
0xa9: {  	[spmem:s3] =	stream.indirect.scatter.add.f32 [tilespmem:s28], [sflag:$0x3], $0x80, s19, s2, $0xb8;
	[tilespmem:$0x1E800] =	vst v63  }
0xaa: {  	_ =	swait.ge [sflag:s29], $0x3E80  }
0xab: {  	[sflag:s29] =	ssyncset.done $0x0  }
0xac: {  	s19 =	sadd.s32 $0x15500, s18;
	[sflag:s29] =	ssyncadd.s32 $0xFFFFC180  }
0xad: {  	[tilespmem:s28], [sflag:$0x1] =	stream.indirect.gather [hbm4b:s1+s2], $0x80, s19, s2, $0xb8;
	[tilespmem:$0x1E800] =	vst v63  }
0xae: {  	_ =	swait.ge [sflag:s13], $0x3E80  }
.Ltmp1:
0xaf: {  	[sflag:s13] =	ssyncset.done $0x0;
	(pc) =	sbr.rel @p0 .LBB2_4-.Ltmp1, $4  }
0xb0: {  	s18 =	sadd.s32 $0x14080, s18;
	[sflag:s13] =	ssyncadd.s32 $0xFFFFC180  }
0xb1: {  	[spmem:s3] =	stream.indirect.scatter.add.f32 [tilespmem:s0], [sflag:$0x3], $0x80, s18, s2, $0xb8;
	[tilespmem:$0x1E800] =	vst v63  }
0xb2: {  	_ =	swait.ge [sflag:s29], $0x3E80  }
0xb3: {  	s19 =	smov.u32 s22;
	s18 =	sshra.s32 s21, $0x2;
	[sflag:s29] =	ssyncset.done $0x0  }
0xb4: {  	s19 =	sadd.s32 $0x15480, s18;
	[sflag:s29] =	ssyncadd.s32 $0xFFFFC180  }
0xb5: {  	[tilespmem:s0], [sflag:$0x2] =	stream.indirect.gather [hbm4b:s1+s2], $0x80, s19, s2, $0xb8;
	[tilespmem:$0x1E800] =	vst v63  }
0xb6: {  	_ =	swait.ge [sflag:s5], $0x3E80  }
0xb7: {  	[sflag:s5] =	ssyncset.done $0x0  }
0xb8: {  	s21 =	sadd.s32 $0x14000, s18;
	[sflag:s5] =	ssyncadd.s32 $0xFFFFC180  }
0xb9: {  	[spmem:s3] =	stream.indirect.scatter.add.f32 [tilespmem:s28], [sflag:$0x3], $0x80, s21, s2, $0xb8;
	[tilespmem:$0x1E800] =	vst v63  }
0xba: {  	_ =	swait.ge [sflag:s29], $0x3E80  }
0xbb: {  	[sflag:s29] =	ssyncset.done $0x0  }
0xbc: {  	s22 =	sadd.s32 $0x15500, s18;
	[sflag:s29] =	ssyncadd.s32 $0xFFFFC180  }
0xbd: {  	[tilespmem:s28], [sflag:$0x1] =	stream.indirect.gather [hbm4b:s1+s2], $0x80, s22, s2, $0xb8;
	[tilespmem:$0x1E800] =	vst v63  }
0xbe: {  	_ =	swait.ge [sflag:s13], $0x3E80  }
0xbf: {  	[sflag:s13] =	ssyncset.done $0x0  }
0xc0: {  	s20 =	sadd.s32 $0x14080, s18;
	[sflag:s13] =	ssyncadd.s32 $0xFFFFC180  }
0xc1: {  	[spmem:s3] =	stream.indirect.scatter.add.f32 [tilespmem:s0], [sflag:$0x3], $0x80, s20, s2, $0xb8;
	[tilespmem:$0x1E800] =	vst v63  }
0xc2: {  	_ =	swait.ge [sflag:s29], $0x3E80  }
0xc3: {  	[sflag:s29] =	ssyncset.done $0x0  }
0xc4: {  	[sflag:s29] =	ssyncadd.s32 $0xFFFFC180  }
0xc5: {  	[tilespmem:s0], [sflag:$0x2] =	stream.indirect.gather [hbm4b:s1+s2], $0x80, s14, s2, $0xb8;
	[tilespmem:$0x1E800] =	vst v63  }
0xc6: {  	_ =	swait.ge [sflag:s5], $0x3E80  }
0xc7: {  	[sflag:s5] =	ssyncset.done $0x0  }
0xc8: {  	[sflag:s5] =	ssyncadd.s32 $0xFFFFC180  }
0xc9: {  	[spmem:s3] =	stream.indirect.scatter.add.f32 [tilespmem:s28], [sflag:$0x3], $0x80, s15, s2, $0xb8;
	[tilespmem:$0x1E800] =	vst v63  }
0xca: {  	_ =	swait.ge [sflag:s29], $0x3E80  }
0xcb: {  	[sflag:s29] =	ssyncset.done $0x0  }
0xcc: {  	[sflag:s29] =	ssyncadd.s32 $0xFFFFC180  }
0xcd: {  	_ =	swait.ge [sflag:s13], $0x3E80  }
0xce: {  	[sflag:s13] =	ssyncset.done $0x0  }
0xcf: {  	[sflag:s13] =	ssyncadd.s32 $0xFFFFC180  }
0xd0: {  	[spmem:s3] =	stream.indirect.scatter.add.f32 [tilespmem:s0], [sflag:$0x3], $0x80, s16, s2, $0xb8;
	[tilespmem:$0x1E800] =	vst v63  }
0xd1: {  	_ =	swait.ge [sflag:s29], $0x3E80  }
0xd2: {  	[sflag:s29] =	ssyncset.done $0x0  }
0xd3: {  	[sflag:s29] =	ssyncadd.s32 $0xFFFFC180  }
0xd4: {  	[bflag:$0x0] =	sbarrier.arrive $0xFFFF  }
0xd5: {  	[tilespmem:s28], [sflag:$0x3] =	stream.linear.gather [spmem:s6], $0x2800, $0x38;
	[tilespmem:$0x1E800] =	vst v63  }
0xd6: {  	_ =	swait.ge [sflag:s29], $0x2800  }
0xd7: {  	[sflag:s29] =	ssyncset.done $0x0  }
0xd8: {  	s21 =	rddreg [dreg:$0x9];
	[sflag:s29] =	ssyncadd.s32 $0xFFFFD800  }
0xd9: {  	[hbm4b:s21+s4] =	stream.linear.scatter [tilespmem:s28], [sflag:$0x3], $0x2800, $0x38;
	[tilespmem:$0x1E800] =	vst v63  }
0xda: {  	_ =	swait.ge [sflag:s29], $0x2800  }
0xdb: {  	[sflag:s29] =	ssyncset.done $0x0  }
0xdc: {  	[sflag:s29] =	ssyncadd.s32 $0xFFFFD800  }
0xdd: {  	[tilespmem:s28], [sflag:$0x3] =	stream.linear.gather [spmem:s7], $0x2800, $0x38;
	[tilespmem:$0x1E800] =	vst v63  }
0xde: {  	_ =	swait.ge [sflag:s29], $0x2800  }
0xdf: {  	[sflag:s29] =	ssyncset.done $0x0  }
0xe0: {  	s22 =	rddreg [dreg:$0xa];
	[sflag:s29] =	ssyncadd.s32 $0xFFFFD800  }
0xe1: {  	[hbm4b:s22+s4] =	stream.linear.scatter [tilespmem:s28], [sflag:$0x3], $0x2800, $0x38;
	[tilespmem:$0x1E800] =	vst v63  }
0xe2: {  	_ =	swait.ge [sflag:s29], $0x2800  }
0xe3: {  	[sflag:s29] =	ssyncset.done $0x0  }
0xe4: {  	[sflag:s29] =	ssyncadd.s32 $0xFFFFD800  }
0xe5: {  	[tilespmem:s28], [sflag:$0x3] =	stream.linear.gather [spmem:s8], $0x2800, $0x38;
	[tilespmem:$0x1E800] =	vst v63  }
0xe6: {  	_ =	swait.ge [sflag:s29], $0x2800  }
0xe7: {  	[sflag:s29] =	ssyncset.done $0x0  }
0xe8: {  	s19 =	rddreg [dreg:$0xb];
	[sflag:s29] =	ssyncadd.s32 $0xFFFFD800  }
0xe9: {  	[hbm4b:s19+s4] =	stream.linear.scatter [tilespmem:s28], [sflag:$0x3], $0x2800, $0x38;
	[tilespmem:$0x1E800] =	vst v63  }
0xea: {  	_ =	swait.ge [sflag:s29], $0x2800  }
0xeb: {  	[sflag:s29] =	ssyncset.done $0x0  }
0xec: {  	[sflag:s29] =	ssyncadd.s32 $0xFFFFD800  }
0xed: {  	[tilespmem:s28], [sflag:$0x3] =	stream.linear.gather [spmem:s9], $0x2800, $0x38;
	[tilespmem:$0x1E800] =	vst v63  }
0xee: {  	_ =	swait.ge [sflag:s29], $0x2800  }
0xef: {  	[sflag:s29] =	ssyncset.done $0x0  }
0xf0: {  	s20 =	rddreg [dreg:$0xc];
	[sflag:s29] =	ssyncadd.s32 $0xFFFFD800  }
0xf1: {  	[hbm4b:s20+s4] =	stream.linear.scatter [tilespmem:s28], [sflag:$0x3], $0x2800, $0x38;
	[tilespmem:$0x1E800] =	vst v63  }
0xf2: {  	_ =	swait.ge [sflag:s29], $0x2800  }
0xf3: {  	[sflag:s29] =	ssyncset.done $0x0  }
0xf4: {  	[sflag:s29] =	ssyncadd.s32 $0xFFFFD800  }
0xf5: {  	[tilespmem:s28], [sflag:$0x3] =	stream.linear.gather [spmem:s10], $0x2800, $0x38;
	[tilespmem:$0x1E800] =	vst v63  }
0xf6: {  	_ =	swait.ge [sflag:s29], $0x2800  }
0xf7: {  	[sflag:s29] =	ssyncset.done $0x0  }
0xf8: {  	s21 =	rddreg [dreg:$0xd];
	[sflag:s29] =	ssyncadd.s32 $0xFFFFD800  }
0xf9: {  	[hbm4b:s21+s4] =	stream.linear.scatter [tilespmem:s28], [sflag:$0x3], $0x2800, $0x38;
	[tilespmem:$0x1E800] =	vst v63  }
0xfa: {  	_ =	swait.ge [sflag:s29], $0x2800  }
0xfb: {  	[sflag:s29] =	ssyncset.done $0x0  }
0xfc: {  	[sflag:s29] =	ssyncadd.s32 $0xFFFFD800  }
0xfd: {  	[tilespmem:s28], [sflag:$0x3] =	stream.linear.gather [spmem:s11], $0x2800, $0x38;
	[tilespmem:$0x1E800] =	vst v63  }
0xfe: {  	_ =	swait.ge [sflag:s29], $0x2800  }
0xff: {  	[sflag:s29] =	ssyncset.done $0x0  }
0x100: {  	s22 =	rddreg [dreg:$0xe];
	[sflag:s29] =	ssyncadd.s32 $0xFFFFD800  }
0x101: {  	[hbm4b:s22+s4] =	stream.linear.scatter [tilespmem:s28], [sflag:$0x3], $0x2800, $0x38;
	[tilespmem:$0x1E800] =	vst v63  }
0x102: {  	_ =	swait.ge [sflag:s29], $0x2800  }
0x103: {  	[sflag:s29] =	ssyncset.done $0x0  }
0x104: {  	[sflag:s29] =	ssyncadd.s32 $0xFFFFD800  }
0x105: {  	[tilespmem:s28], [sflag:$0x3] =	stream.linear.gather [spmem:s12], $0x2800, $0x38;
	[tilespmem:$0x1E800] =	vst v63  }
0x106: {  	_ =	swait.ge [sflag:s29], $0x2800  }
0x107: {  	[sflag:s29] =	ssyncset.done $0x0  }
0x108: {  	[sflag:s29] =	ssyncadd.s32 $0xFFFFD800  }
0x109: {  	[hbm4b:s23+s4] =	stream.linear.scatter [tilespmem:s28], [sflag:$0x3], $0x2800, $0x38;
	[tilespmem:$0x1E800] =	vst v63  }
0x10a: {  	_ =	swait.ge [sflag:s29], $0x2800  }
0x10b: {  	[sflag:s29] =	ssyncset.done $0x0  }
0x10c: {  	[sflag:s29] =	ssyncadd.s32 $0xFFFFD800  }
0x10d: {  	[tilespmem:s28], [sflag:$0x3] =	stream.linear.gather [spmem:s26], $0x2800, $0x38;
	[tilespmem:$0x1E800] =	vst v63  }
0x10e: {  	s17 =	sadd.s32 $0x1, s17;
	_ =	swait.ge [sflag:s29], $0x2800  }
0x10f: {  	p0 =	sne.s32 s17, s25;
	[sflag:s29] =	ssyncset.done $0x0  }
.Ltmp2:
0x110: {  	[sflag:s29] =	ssyncadd.s32 $0xFFFFD800;
	(pc) =	sbr.rel @p0 .LBB2_1-.Ltmp2, $4  }
0x111: {  	[hbm4b:s24+s4] =	stream.linear.scatter [tilespmem:s28], [sflag:$0x3], $0x2800, $0x38;
	[tilespmem:$0x1E800] =	vst v63  }
0x112: {  	_ =	swait.ge [sflag:s29], $0x2800  }
0x113: {  	[sflag:s29] =	ssyncset.done $0x0  }
0x114: {  	[sflag:s29] =	ssyncadd.s32 $0xFFFFD800  }
0x115: {  	_ =	sfence.sel $0x180000  }
0x116: {  	[bflag:$0x0] =	sbarrier.arrive $0xFFFF  }
0x117: {  	_ =	strace $0x90000047  }
0x118: {  	s0 =	stileid.u32;
	[bflag:$0x2] =	sbarrier.arrive $0xFFFF  }
0x119: {  	p0 =	sne.s32 s0, $0x0;
	s0 =	rddreg [dreg:$0x3]  }
0x11a: {  	s0 =	sadd.s32 @!p0 $0x100000, s0  }
0x11b: {  	[sflag:s0] =	ssyncadd.tile.s32 @!p0 $0x1;
	_ =	shalt  }
.Lfunc_end2:
_tile_overlayer_lowered:
.L_overlay_start_2:
0x11c: {  	(tag) =	ssettag $0x2  }
0x11d: {  	s0 =	rddreg [dreg:$0x0];
	s2 =	stileid.u32  }
0x11e: {  	s1 =	rddreg [dreg:$0x1];
	p0 =	sne.s32 s2, $0x0  }
0x11f: {  	s3 =	rddreg [dreg:$0x2];
	[bflag:$0x3] =	sbarrier.arrive $0xFFFF;
	s2 =	simm.s32 @!p0 $0x1C03  }
0x120: {  	[timem:s3], [sflag:s2] =	dma.local @!p0 [hbm:s0], s1  }
0x121: {  	s0 =	simm.s32 @!p0 $0x3  }
0x122: {  	_ =	swait.ge @!p0 [sflag:s0], s1  }
0x123: {  	s1 =	ssub.s32 @!p0 $0x0, s1;
	[sflag:s0] =	ssyncset.done @!p0 $0x0  }
0x124: {  	[sflag:s0] =	ssyncadd.s32 @!p0 s1  }
0x125: {  	[bflag:$0x3] =	sbarrier.arrive $0xFFFF  }
0x126: {  	_ =	shalt  }

</sc_bundles>
